<compile_context>
chip_gen: v7x
topology: tpu7x:2x2x1
jax: 0.10.2.dev20260603
libtpu: 0.0.44.dev20260713+nightly
codegen_flags: <defaults>
</compile_context>

<pallas_src>
import functools

import jax
import jax.numpy as jnp
from jax import lax
from jax.experimental import pallas as pl
from jax.experimental.pallas import tpu as pltpu
from jax.experimental.pallas import tpu_sc as plsc

_B = 1024
_S = 200
_EMB = 128
_POS_V = 50
_NER_V = 20
_IN = 192
_BB = 8
_NW = 32
_CH = 128


def _sc_gather(table, idx_3d, d):
    nchunk = idx_3d.shape[1]
    tot = _NW * nchunk * _CH
    rows_per_w = nchunk * _CH
    mesh = plsc.VectorSubcoreMesh(core_axis_name="c", subcore_axis_name="s")

    @functools.partial(
        pl.kernel,
        out_type=jax.ShapeDtypeStruct((tot, d), jnp.float32),
        mesh=mesh,
        scratch_types=[
            pltpu.VMEM((nchunk, _CH), jnp.int32),
            pltpu.VMEM((_CH, d), jnp.float32),
            pltpu.VMEM((_CH, d), jnp.float32),
            pltpu.SemaphoreType.DMA,
            pltpu.SemaphoreType.DMA,
        ],
    )
    def gather_kernel(table_hbm, idx_hbm, out_hbm, idx_v, rows0, rows1, sem0, sem1):
        wid = lax.axis_index("s") * 2 + lax.axis_index("c")
        base = wid * rows_per_w
        pltpu.sync_copy(idx_hbm.at[wid], idx_v)
        pltpu.async_copy(table_hbm.at[idx_v.at[0]], rows0, sem0)

        def body(j, carry):
            buf = lax.rem(j, 2)

            @pl.when(j + 1 < nchunk)
            def _():
                @pl.when(buf == 0)
                def _():
                    pltpu.async_copy(table_hbm.at[idx_v.at[j + 1]], rows1, sem1)

                @pl.when(buf == 1)
                def _():
                    pltpu.async_copy(table_hbm.at[idx_v.at[j + 1]], rows0, sem0)

            @pl.when(buf == 0)
            def _():
                pltpu.make_async_copy(table_hbm.at[idx_v.at[0]], rows0, sem0).wait()
                pltpu.sync_copy(rows0, out_hbm.at[pl.ds(base + j * _CH, _CH)])

            @pl.when(buf == 1)
            def _():
                pltpu.make_async_copy(table_hbm.at[idx_v.at[0]], rows1, sem1).wait()
                pltpu.sync_copy(rows1, out_hbm.at[pl.ds(base + j * _CH, _CH)])

            return carry

        lax.fori_loop(0, nchunk, body, 0)

    return gather_kernel(table, idx_3d)


def _tc_body(w_ref, pos_ref, ner_ref, fused_ref, posemb_ref, g_ref, b_ref,
             emb_out):
    nv = _POS_V + _NER_V
    w = w_ref[...]
    p = pos_ref[..., 0][..., None]
    n = ner_ref[..., 0][..., None]
    io = lax.broadcasted_iota(jnp.int32, (_BB, _S, nv), 2)
    oh = ((io == p) | (io == n + _POS_V)).astype(jnp.float32)
    pn = lax.dot_general(oh, fused_ref[...],
                         dimension_numbers=(((2,), (0,)), ((), ())),
                         preferred_element_type=jnp.float32)
    e = jnp.concatenate([w, pn], axis=2)
    e = e + posemb_ref[:_S][None, :, :]
    mean = jnp.mean(e, axis=-1, keepdims=True)
    var = jnp.mean((e - mean) * (e - mean), axis=-1, keepdims=True)
    emb_out[...] = (e - mean) * lax.rsqrt(var + 1e-5) * g_ref[...] + b_ref[...]


_SI = 8
_BL = 1024


def _mask_body(headt_ref, headti_ref, maskt_ref, packed_out, adj_out):
    i0 = pl.program_id(0) * _SI
    head_all = headt_ref[...]
    h_all = jnp.clip(head_all - 1, 0, _S - 1)
    valid_all = head_all > 0
    ii = i0 + lax.broadcasted_iota(jnp.int32, (_SI, _S, _BL), 0)
    jj = lax.broadcasted_iota(jnp.int32, (_SI, _S, _BL), 1)
    head_i = headti_ref[...]
    h_i = jnp.clip(head_i - 1, 0, _S - 1)[:, None, :]
    v_i = (head_i > 0)[:, None, :]
    c1 = (h_i == jj) & v_i
    c2 = (h_all[None, :, :] == ii) & valid_all[None, :, :]
    a = c1 | c2 | (ii == jj)
    adj_out[...] = a.astype(jnp.float32)
    lrow = jnp.sum((maskt_ref[...] == 0).astype(jnp.int32), axis=0,
                   keepdims=True)
    pad = ~(lax.broadcasted_iota(jnp.int32, (_S, _BL), 0) < lrow)
    pad32 = jnp.broadcast_to(pad[None, :, :], (_SI, _S, _BL)).astype(jnp.int32)
    seq32 = (~(jj <= ii)).astype(jnp.int32)
    packed = (~a).astype(jnp.int32) | (pad32 * 2) | (seq32 * 4)
    packed_out[...] = packed.astype(jnp.int8)


_SS = 10
_EBL = 1024


def _emb_body(w_ref, post_ref, nert_ref, fusedt_ref, posemb_ref, g_ref, b_ref,
              emb_out):
    nv = _POS_V + _NER_V
    io = lax.broadcasted_iota(jnp.int32, (nv, _EBL), 0)
    for k in range(_SS):
        w_t = jnp.transpose(w_ref[k], (1, 0))
        p = post_ref[k]
        n = nert_ref[k]
        oh = ((io == p) | (io == n + _POS_V)).astype(jnp.float32)
        pn = jnp.dot(fusedt_ref[...], oh,
                     preferred_element_type=jnp.float32)
        e = jnp.concatenate([w_t, pn], axis=0) + posemb_ref[k]
        mean = jnp.mean(e, axis=0, keepdims=True)
        var = jnp.mean((e - mean) * (e - mean), axis=0, keepdims=True)
        emb_out[k] = (e - mean) * lax.rsqrt(var + 1e-5) * g_ref[...] + b_ref[...]


def kernel(words, masks, pos, ner, deprel, head, subj_pos, obj_pos,
           subj_type, obj_type, emb, pos_emb, ner_emb, position_emb,
           ln_gamma, ln_beta):
    nchunk = _B * _S // (_NW * _CH)
    words_t3d = words.T.reshape(_NW, nchunk, _CH)
    word_rows_t = _sc_gather(emb, words_t3d, _EMB).reshape(_S, _B, _EMB)

    nv = _POS_V + _NER_V
    fused = jnp.zeros((nv, 64), jnp.float32)
    fused = fused.at[:_POS_V, :32].set(pos_emb)
    fused = fused.at[_POS_V:, 32:].set(ner_emb)

    f32 = jnp.float32
    i8 = jnp.int8
    embt = pl.pallas_call(
        _emb_body,
        grid=(_S // _SS, _B // _EBL),
        in_specs=[
            pl.BlockSpec((_SS, _EBL, _EMB), lambda s, b: (s, b, 0)),
            pl.BlockSpec((_SS, 1, _EBL), lambda s, b: (s, 0, b)),
            pl.BlockSpec((_SS, 1, _EBL), lambda s, b: (s, 0, b)),
            pl.BlockSpec((64, nv), lambda s, b: (0, 0)),
            pl.BlockSpec((_SS, _IN, 1), lambda s, b: (s, 0, 0)),
            pl.BlockSpec((_IN, 1), lambda s, b: (0, 0)),
            pl.BlockSpec((_IN, 1), lambda s, b: (0, 0)),
        ],
        out_specs=pl.BlockSpec((_SS, _IN, _EBL), lambda s, b: (s, 0, b)),
        out_shape=jax.ShapeDtypeStruct((_S, _IN, _B), f32),
        compiler_params=pltpu.CompilerParams(
            dimension_semantics=("parallel", "parallel")),
    )(word_rows_t, pos.T[:, None, :], ner.T[:, None, :], fused.T,
      position_emb[:_S][:, :, None], ln_gamma.reshape(_IN, 1),
      ln_beta.reshape(_IN, 1))
    embeddings = jnp.transpose(embt, (2, 0, 1))

    head_t = head.T
    masks_t = masks.T
    colspec = pl.BlockSpec((_S, _BL), lambda i, b: (0, b))
    rowspec = pl.BlockSpec((_SI, _BL), lambda i, b: (i, b))
    outt = lambda dt: pl.BlockSpec((_SI, _S, _BL), lambda i, b: (i, 0, b))
    ssb = lambda dt: jax.ShapeDtypeStruct((_S, _S, _B), dt)
    packed_t, adj_t = pl.pallas_call(
        _mask_body,
        grid=(_S // _SI, _B // _BL),
        in_specs=[colspec, rowspec, colspec],
        out_specs=(outt(i8), outt(f32)),
        out_shape=(ssb(i8), ssb(f32)),
        compiler_params=pltpu.CompilerParams(
            dimension_semantics=("parallel", "parallel")),
    )(head_t, head_t, masks_t)
    tr = lambda x: jnp.transpose(x, (2, 0, 1))
    unpack = lambda bit: jnp.transpose((packed_t & bit).astype(jnp.bool_),
                                       (2, 0, 1))
    return (embeddings, unpack(1), unpack(2), unpack(4), tr(adj_t))

# --- scband reference (transcript-rebuilt; emitter-appended) ---
"""Pipeline reference for scband-input-layer-34892314312799 (READ-ONLY COPY).

The authoritative reference and input builder live on the scoring server;
editing this copy changes nothing except your own understanding.
"""

import jax, jax.numpy as jnp
import numpy as np

B = 1024
S = 200
VOCAB = 100000
EMB_DIM = 128
POS_VOCAB = 50
NER_VOCAB = 20
POS_DIM = 32
NER_DIM = 32
INPUT_DIM = EMB_DIM + POS_DIM + NER_DIM
MAX_SEQ_LEN = 300


def setup_inputs(seed: int = 0):
    key = jax.random.key(seed)
    ks = jax.random.split(key, 16)
    words = jax.random.randint(ks[0], (B, S), 0, VOCAB, dtype=jnp.int32)
    masks = jnp.zeros((B, S), dtype=jnp.float32)  # 0 == valid token
    pos = jax.random.randint(ks[1], (B, S), 0, POS_VOCAB, dtype=jnp.int32)
    ner = jax.random.randint(ks[2], (B, S), 0, NER_VOCAB, dtype=jnp.int32)
    deprel = jax.random.randint(ks[3], (B, S), 0, 40, dtype=jnp.int32)
    head = jax.random.randint(ks[4], (B, S), 0, S, dtype=jnp.int32)  # 0 = root
    subj_pos = jax.random.randint(ks[5], (B, S), 0, 400, dtype=jnp.int32)
    obj_pos = jax.random.randint(ks[6], (B, S), 0, 400, dtype=jnp.int32)
    subj_type = jax.random.randint(ks[7], (B,), 0, 10, dtype=jnp.int32)
    obj_type = jax.random.randint(ks[8], (B,), 0, 10, dtype=jnp.int32)
    emb = jax.random.uniform(ks[9], (VOCAB, EMB_DIM), minval=-1.0, maxval=1.0, dtype=jnp.float32)
    emb = emb.at[0].set(0.0)  # padding_idx row
    pos_emb = jax.random.normal(ks[10], (POS_VOCAB, POS_DIM), dtype=jnp.float32) * 0.02
    pos_emb = pos_emb.at[0].set(0.0)
    ner_emb = jax.random.normal(ks[11], (NER_VOCAB, NER_DIM), dtype=jnp.float32) * 0.02
    ner_emb = ner_emb.at[0].set(0.0)
    position_emb = jax.random.normal(ks[12], (MAX_SEQ_LEN, INPUT_DIM), dtype=jnp.float32) * 0.02
    ln_gamma = jnp.ones((INPUT_DIM,), dtype=jnp.float32)
    ln_beta = jnp.zeros((INPUT_DIM,), dtype=jnp.float32)
    return {
        'words': words, 'masks': masks, 'pos': pos, 'ner': ner, 'deprel': deprel,
        'head': head, 'subj_pos': subj_pos, 'obj_pos': obj_pos,
        'subj_type': subj_type, 'obj_type': obj_type,
        'emb': emb, 'pos_emb': pos_emb, 'ner_emb': ner_emb,
        'position_emb': position_emb, 'ln_gamma': ln_gamma, 'ln_beta': ln_beta,
    }


def reference(words, masks, pos, ner, deprel, head, subj_pos, obj_pos, subj_type, obj_type,
              emb, pos_emb, ner_emb, position_emb, ln_gamma, ln_beta):
    bs, slen = words.shape
    # lengths from masks (masks == 0 means valid). All-zero masks -> l = slen everywhere.
    l = (masks == 0).astype(jnp.int32).sum(axis=1)
    # embedding lookups (SparseCore gathers)
    word_embs = jnp.take(emb, words, axis=0)
    pos_embs = jnp.take(pos_emb, pos, axis=0)
    ner_embs = jnp.take(ner_emb, ner, axis=0)
    embs = jnp.concatenate([word_embs, pos_embs, ner_embs], axis=2)
    position_ids = jnp.arange(slen, dtype=jnp.int32)
    embeddings = embs + jnp.take(position_emb, position_ids, axis=0)[None, :, :]
    # LayerNorm
    mean = embeddings.mean(axis=-1, keepdims=True)
    var = embeddings.var(axis=-1, keepdims=True)
    embeddings = (embeddings - mean) / jnp.sqrt(var + 1e-5) * ln_gamma + ln_beta
    # dropout is identity at inference
    # dependency adjacency from head pointers (undirected, self loops; prune_k=-1 keeps full tree)
    b_idx = jnp.arange(bs)[:, None]
    p_idx = jnp.broadcast_to(jnp.arange(slen)[None, :], (bs, slen))
    h = jnp.clip(head - 1, 0, slen - 1)
    valid = (head > 0).astype(jnp.float32)
    adj = jnp.zeros((bs, slen, slen), dtype=jnp.float32).at[b_idx, p_idx, h].add(valid)
    adj = adj + jnp.transpose(adj, (0, 2, 1))
    adj = jnp.minimum(adj + jnp.eye(slen, dtype=jnp.float32)[None, :, :], 1.0)
    dep_mask = adj == 0
    # pad / causal attention masks
    alen = jnp.arange(slen, dtype=jnp.int32)
    pad = ~(alen[None, :] < l[:, None])
    pad_mask = jnp.broadcast_to(pad[:, None, :], (bs, slen, slen))
    seq_mask = ~jnp.broadcast_to(alen[None, None, :] <= alen[None, :, None], (bs, slen, slen))
    dist_embs = None
    return (embeddings, dep_mask, pad_mask, seq_mask, adj)

if __name__ == "__main__":
    import jax
    _d = setup_inputs()
    print(jax.jit(kernel)(*tuple(_d.values())))

</pallas_src>

<mosaic_0001>
#map = affine_map<(d0, d1) -> (0, 0)>
#map1 = affine_map<(d0, d1) -> (0, 0, 0)>
module attributes {stable_mosaic.version = 14 : i64} {
  func.func @gather_kernel(%arg0: i32, %arg1: i32, %arg2: memref<100000x128xf32, #tpu.memory_space<hbm>>, %arg3: memref<32x50x128xi32, #tpu.memory_space<hbm>>, %arg4: memref<204800x128xf32, #tpu.memory_space<hbm>>, %arg5: memref<50x128xi32, #tpu.memory_space<vmem>>, %arg6: memref<128x128xf32, #tpu.memory_space<vmem>>, %arg7: memref<128x128xf32, #tpu.memory_space<vmem>>, %arg8: memref<!tpu.dma_semaphore, #tpu.memory_space<semaphore_mem>>, %arg9: memref<!tpu.dma_semaphore, #tpu.memory_space<semaphore_mem>>) attributes {dimension_semantics = [#tpu.dimension_semantics<core_parallel>, #tpu.dimension_semantics<subcore_parallel>], iteration_bounds = array<i64: 2, 16>, scalar_prefetch = 0 : i64, scratch_operands = 5 : i64, tpu.core_type = #tpu.core_type<sc_vector_subcore>, window_params = [{transform_indices = #map}, {transform_indices = #map1}, {transform_indices = #map}]} {
    %mul3A = arith.constant 2 : i32
    %mul3A_0 = arith.muli %arg1, %mul3A : i32
    %add3A = arith.addi %mul3A_0, %arg0 : i32
    %mul3A_1 = arith.constant 6400 : i32
    %mul3A_2 = arith.muli %add3A, %mul3A_1 : i32
    "tpu.region"() ({
      %run_scoped3A = tpu.sem_alloc : memref<!tpu.dma_semaphore, #tpu.memory_space<semaphore_mem>>
      %dma_start3A_14 = arith.constant 0 : i32
      %dma_start3A_15 = arith.constant 0 : i32
      %dma_start3A_16 = tpu.memref_slice %arg3[%add3A, %dma_start3A_14, %dma_start3A_15] : memref<32x50x128xi32, #tpu.memory_space<hbm>> -> memref<1x50x128xi32, #tpu.memory_space<hbm>>
      %dma_start3A_17 = tpu.memref_squeeze %dma_start3A_16 : memref<1x50x128xi32, #tpu.memory_space<hbm>> -> memref<50x128xi32, #tpu.memory_space<hbm>>
      %dma_start3A_18 = arith.constant 0 : i32
      %dma_start3A_19 = arith.constant 0 : i32
      %dma_start3A_20 = tpu.memref_slice %arg3[%add3A, %dma_start3A_18, %dma_start3A_19] : memref<32x50x128xi32, #tpu.memory_space<hbm>> -> memref<1x50x128xi32, #tpu.memory_space<hbm>>
      %dma_start3A_21 = tpu.memref_squeeze %dma_start3A_20 : memref<1x50x128xi32, #tpu.memory_space<hbm>> -> memref<50x128xi32, #tpu.memory_space<hbm>>
      tpu.enqueue_dma source(%dma_start3A_21 : memref<50x128xi32, #tpu.memory_space<hbm>>) target(%arg5 : memref<50x128xi32, #tpu.memory_space<vmem>>) target_semaphore(%run_scoped3A : memref<!tpu.dma_semaphore, #tpu.memory_space<semaphore_mem>>)
      %dma_wait3A = arith.constant 0 : i32
      %dma_wait3A_22 = arith.constant 0 : i32
      %dma_wait3A_23 = tpu.memref_slice %arg3[%add3A, %dma_wait3A, %dma_wait3A_22] : memref<32x50x128xi32, #tpu.memory_space<hbm>> -> memref<1x50x128xi32, #tpu.memory_space<hbm>>
      %dma_wait3A_24 = tpu.memref_squeeze %dma_wait3A_23 : memref<1x50x128xi32, #tpu.memory_space<hbm>> -> memref<50x128xi32, #tpu.memory_space<hbm>>
      %dma_wait3A_25 = arith.constant 0 : i32
      %dma_wait3A_26 = arith.constant 0 : i32
      %dma_wait3A_27 = tpu.memref_slice %arg3[%add3A, %dma_wait3A_25, %dma_wait3A_26] : memref<32x50x128xi32, #tpu.memory_space<hbm>> -> memref<1x50x128xi32, #tpu.memory_space<hbm>>
      %dma_wait3A_28 = tpu.memref_squeeze %dma_wait3A_27 : memref<1x50x128xi32, #tpu.memory_space<hbm>> -> memref<50x128xi32, #tpu.memory_space<hbm>>
      tpu.wait_dma2 semaphore(%run_scoped3A : memref<!tpu.dma_semaphore, #tpu.memory_space<semaphore_mem>>) src(%dma_wait3A_28 : memref<50x128xi32, #tpu.memory_space<hbm>>) dst(%arg5 : memref<50x128xi32, #tpu.memory_space<vmem>>)
      tpu.yield
    }) : () -> ()
    %dma_start3A = arith.constant 0 : i32
    %dma_start3A_3 = arith.constant 0 : i32
    %dma_start3A_4 = tpu.memref_slice %arg5[%dma_start3A, %dma_start3A_3] : memref<50x128xi32, #tpu.memory_space<vmem>> -> memref<1x128xi32, #tpu.memory_space<vmem>>
    %dma_start3A_5 = tpu.memref_squeeze %dma_start3A_4 : memref<1x128xi32, #tpu.memory_space<vmem>> -> memref<128xi32, #tpu.memory_space<vmem>>
    %dma_start3A_6 = arith.constant 0 : i32
    %dma_start3A_7 = arith.constant 0 : i32
    %dma_start3A_8 = tpu.memref_slice %arg2[%dma_start3A_6, %dma_start3A_7] : memref<100000x128xf32, #tpu.memory_space<hbm>> -> memref<100000x128xf32, #tpu.memory_space<hbm>>
    tpu.enqueue_indirect_dma source(%dma_start3A_8 : memref<100000x128xf32, #tpu.memory_space<hbm>>) target(%arg6 : memref<128x128xf32, #tpu.memory_space<vmem>>) offsets(%dma_start3A_5 : memref<128xi32, #tpu.memory_space<vmem>>) semaphore(%arg8 : memref<!tpu.dma_semaphore, #tpu.memory_space<semaphore_mem>>)
    %scan3A = arith.constant 0 : i32
    %scan3A_9 = arith.constant 0 : i32
    %scan3A_10 = arith.constant 50 : i32
    %scan3A_11 = arith.addi %scan3A_9, %scan3A_10 : i32
    %scan3A_12 = arith.constant 1 : i32
    scf.for %scan3A_14 = %scan3A_9 to %scan3A_11 step %scan3A_12  : i32 {
      %rem3A = arith.constant 2 : i32
      %rem3A_15 = arith.remsi %scan3A_14, %rem3A : i32
      %add3A_16 = arith.constant 1 : i32
      %add3A_17 = arith.addi %scan3A_14, %add3A_16 : i32
      %lt3A = arith.constant 50 : i32
      %lt3A_18 = arith.cmpi slt, %add3A_17, %lt3A : i32
      %convert_element_type3A = arith.extui %lt3A_18 : i1 to i32
      %cond3A = arith.constant 0 : i32
      %cond3A_19 = arith.cmpi ne, %convert_element_type3A, %cond3A : i32
      scf.if %cond3A_19 {
        %eq3A_29 = arith.constant 0 : i32
        %eq3A_30 = arith.cmpi eq, %rem3A_15, %eq3A_29 : i32
        %convert_element_type3A_31 = arith.extui %eq3A_30 : i1 to i32
        %cond3A_32 = arith.constant 0 : i32
        %cond3A_33 = arith.cmpi ne, %convert_element_type3A_31, %cond3A_32 : i32
        scf.if %cond3A_33 {
          %add3A_39 = arith.constant 1 : i32
          %add3A_40 = arith.addi %scan3A_14, %add3A_39 : i32
          %dma_start3A_41 = arith.constant 0 : i32
          %dma_start3A_42 = tpu.memref_slice %arg5[%add3A_40, %dma_start3A_41] : memref<50x128xi32, #tpu.memory_space<vmem>> -> memref<1x128xi32, #tpu.memory_space<vmem>>
          %dma_start3A_43 = tpu.memref_squeeze %dma_start3A_42 : memref<1x128xi32, #tpu.memory_space<vmem>> -> memref<128xi32, #tpu.memory_space<vmem>>
          %dma_start3A_44 = arith.constant 0 : i32
          %dma_start3A_45 = arith.constant 0 : i32
          %dma_start3A_46 = tpu.memref_slice %arg2[%dma_start3A_44, %dma_start3A_45] : memref<100000x128xf32, #tpu.memory_space<hbm>> -> memref<100000x128xf32, #tpu.memory_space<hbm>>
          tpu.enqueue_indirect_dma source(%dma_start3A_46 : memref<100000x128xf32, #tpu.memory_space<hbm>>) target(%arg7 : memref<128x128xf32, #tpu.memory_space<vmem>>) offsets(%dma_start3A_43 : memref<128xi32, #tpu.memory_space<vmem>>) semaphore(%arg9 : memref<!tpu.dma_semaphore, #tpu.memory_space<semaphore_mem>>)
        } else {
        }
        %eq3A_34 = arith.constant 1 : i32
        %eq3A_35 = arith.cmpi eq, %rem3A_15, %eq3A_34 : i32
        %convert_element_type3A_36 = arith.extui %eq3A_35 : i1 to i32
        %cond3A_37 = arith.constant 0 : i32
        %cond3A_38 = arith.cmpi ne, %convert_element_type3A_36, %cond3A_37 : i32
        scf.if %cond3A_38 {
          %add3A_39 = arith.constant 1 : i32
          %add3A_40 = arith.addi %scan3A_14, %add3A_39 : i32
          %dma_start3A_41 = arith.constant 0 : i32
          %dma_start3A_42 = tpu.memref_slice %arg5[%add3A_40, %dma_start3A_41] : memref<50x128xi32, #tpu.memory_space<vmem>> -> memref<1x128xi32, #tpu.memory_space<vmem>>
          %dma_start3A_43 = tpu.memref_squeeze %dma_start3A_42 : memref<1x128xi32, #tpu.memory_space<vmem>> -> memref<128xi32, #tpu.memory_space<vmem>>
          %dma_start3A_44 = arith.constant 0 : i32
          %dma_start3A_45 = arith.constant 0 : i32
          %dma_start3A_46 = tpu.memref_slice %arg2[%dma_start3A_44, %dma_start3A_45] : memref<100000x128xf32, #tpu.memory_space<hbm>> -> memref<100000x128xf32, #tpu.memory_space<hbm>>
          tpu.enqueue_indirect_dma source(%dma_start3A_46 : memref<100000x128xf32, #tpu.memory_space<hbm>>) target(%arg6 : memref<128x128xf32, #tpu.memory_space<vmem>>) offsets(%dma_start3A_43 : memref<128xi32, #tpu.memory_space<vmem>>) semaphore(%arg8 : memref<!tpu.dma_semaphore, #tpu.memory_space<semaphore_mem>>)
        } else {
        }
      } else {
      }
      %eq3A = arith.constant 0 : i32
      %eq3A_20 = arith.cmpi eq, %rem3A_15, %eq3A : i32
      %convert_element_type3A_21 = arith.extui %eq3A_20 : i1 to i32
      %cond3A_22 = arith.constant 0 : i32
      %cond3A_23 = arith.cmpi ne, %convert_element_type3A_21, %cond3A_22 : i32
      scf.if %cond3A_23 {
        %dma_wait3A = arith.constant 0 : i32
        %dma_wait3A_29 = arith.constant 0 : i32
        %dma_wait3A_30 = tpu.memref_slice %arg5[%dma_wait3A, %dma_wait3A_29] : memref<50x128xi32, #tpu.memory_space<vmem>> -> memref<1x128xi32, #tpu.memory_space<vmem>>
        %dma_wait3A_31 = tpu.memref_squeeze %dma_wait3A_30 : memref<1x128xi32, #tpu.memory_space<vmem>> -> memref<128xi32, #tpu.memory_space<vmem>>
        %dma_wait3A_32 = arith.constant 0 : i32
        %dma_wait3A_33 = arith.constant 0 : i32
        %dma_wait3A_34 = tpu.memref_slice %arg2[%dma_wait3A_32, %dma_wait3A_33] : memref<100000x128xf32, #tpu.memory_space<hbm>> -> memref<100000x128xf32, #tpu.memory_space<hbm>>
        tpu.wait_indirect_dma semaphore(%arg8 : memref<!tpu.dma_semaphore, #tpu.memory_space<semaphore_mem>>) src(%dma_wait3A_34 : memref<100000x128xf32, #tpu.memory_space<hbm>>) dst(%arg6 : memref<128x128xf32, #tpu.memory_space<vmem>>)
        %mul3A_35 = arith.constant 128 : i32
        %mul3A_36 = arith.muli %scan3A_14, %mul3A_35 : i32
        %add3A_37 = arith.addi %mul3A_2, %mul3A_36 : i32
        "tpu.region"() ({
          %run_scoped3A = tpu.sem_alloc : memref<!tpu.dma_semaphore, #tpu.memory_space<semaphore_mem>>
          %dma_start3A_38 = arith.constant 0 : i32
          %dma_start3A_39 = tpu.memref_slice %arg4[%add3A_37, %dma_start3A_38] : memref<204800x128xf32, #tpu.memory_space<hbm>> -> memref<128x128xf32, #tpu.memory_space<hbm>>
          %dma_start3A_40 = arith.constant 0 : i32
          %dma_start3A_41 = tpu.memref_slice %arg4[%add3A_37, %dma_start3A_40] : memref<204800x128xf32, #tpu.memory_space<hbm>> -> memref<128x128xf32, #tpu.memory_space<hbm>>
          tpu.enqueue_dma source(%arg6 : memref<128x128xf32, #tpu.memory_space<vmem>>) target(%dma_start3A_41 : memref<128x128xf32, #tpu.memory_space<hbm>>) target_semaphore(%run_scoped3A : memref<!tpu.dma_semaphore, #tpu.memory_space<semaphore_mem>>)
          %dma_wait3A_42 = arith.constant 0 : i32
          %dma_wait3A_43 = tpu.memref_slice %arg4[%add3A_37, %dma_wait3A_42] : memref<204800x128xf32, #tpu.memory_space<hbm>> -> memref<128x128xf32, #tpu.memory_space<hbm>>
          %dma_wait3A_44 = arith.constant 0 : i32
          %dma_wait3A_45 = tpu.memref_slice %arg4[%add3A_37, %dma_wait3A_44] : memref<204800x128xf32, #tpu.memory_space<hbm>> -> memref<128x128xf32, #tpu.memory_space<hbm>>
          tpu.wait_dma2 semaphore(%run_scoped3A : memref<!tpu.dma_semaphore, #tpu.memory_space<semaphore_mem>>) src(%arg6 : memref<128x128xf32, #tpu.memory_space<vmem>>) dst(%dma_wait3A_45 : memref<128x128xf32, #tpu.memory_space<hbm>>)
          tpu.yield
        }) : () -> ()
      } else {
      }
      %eq3A_24 = arith.constant 1 : i32
      %eq3A_25 = arith.cmpi eq, %rem3A_15, %eq3A_24 : i32
      %convert_element_type3A_26 = arith.extui %eq3A_25 : i1 to i32
      %cond3A_27 = arith.constant 0 : i32
      %cond3A_28 = arith.cmpi ne, %convert_element_type3A_26, %cond3A_27 : i32
      scf.if %cond3A_28 {
        %dma_wait3A = arith.constant 0 : i32
        %dma_wait3A_29 = arith.constant 0 : i32
        %dma_wait3A_30 = tpu.memref_slice %arg5[%dma_wait3A, %dma_wait3A_29] : memref<50x128xi32, #tpu.memory_space<vmem>> -> memref<1x128xi32, #tpu.memory_space<vmem>>
        %dma_wait3A_31 = tpu.memref_squeeze %dma_wait3A_30 : memref<1x128xi32, #tpu.memory_space<vmem>> -> memref<128xi32, #tpu.memory_space<vmem>>
        %dma_wait3A_32 = arith.constant 0 : i32
        %dma_wait3A_33 = arith.constant 0 : i32
        %dma_wait3A_34 = tpu.memref_slice %arg2[%dma_wait3A_32, %dma_wait3A_33] : memref<100000x128xf32, #tpu.memory_space<hbm>> -> memref<100000x128xf32, #tpu.memory_space<hbm>>
        tpu.wait_indirect_dma semaphore(%arg9 : memref<!tpu.dma_semaphore, #tpu.memory_space<semaphore_mem>>) src(%dma_wait3A_34 : memref<100000x128xf32, #tpu.memory_space<hbm>>) dst(%arg7 : memref<128x128xf32, #tpu.memory_space<vmem>>)
        %mul3A_35 = arith.constant 128 : i32
        %mul3A_36 = arith.muli %scan3A_14, %mul3A_35 : i32
        %add3A_37 = arith.addi %mul3A_2, %mul3A_36 : i32
        "tpu.region"() ({
          %run_scoped3A = tpu.sem_alloc : memref<!tpu.dma_semaphore, #tpu.memory_space<semaphore_mem>>
          %dma_start3A_38 = arith.constant 0 : i32
          %dma_start3A_39 = tpu.memref_slice %arg4[%add3A_37, %dma_start3A_38] : memref<204800x128xf32, #tpu.memory_space<hbm>> -> memref<128x128xf32, #tpu.memory_space<hbm>>
          %dma_start3A_40 = arith.constant 0 : i32
          %dma_start3A_41 = tpu.memref_slice %arg4[%add3A_37, %dma_start3A_40] : memref<204800x128xf32, #tpu.memory_space<hbm>> -> memref<128x128xf32, #tpu.memory_space<hbm>>
          tpu.enqueue_dma source(%arg7 : memref<128x128xf32, #tpu.memory_space<vmem>>) target(%dma_start3A_41 : memref<128x128xf32, #tpu.memory_space<hbm>>) target_semaphore(%run_scoped3A : memref<!tpu.dma_semaphore, #tpu.memory_space<semaphore_mem>>)
          %dma_wait3A_42 = arith.constant 0 : i32
          %dma_wait3A_43 = tpu.memref_slice %arg4[%add3A_37, %dma_wait3A_42] : memref<204800x128xf32, #tpu.memory_space<hbm>> -> memref<128x128xf32, #tpu.memory_space<hbm>>
          %dma_wait3A_44 = arith.constant 0 : i32
          %dma_wait3A_45 = tpu.memref_slice %arg4[%add3A_37, %dma_wait3A_44] : memref<204800x128xf32, #tpu.memory_space<hbm>> -> memref<128x128xf32, #tpu.memory_space<hbm>>
          tpu.wait_dma2 semaphore(%run_scoped3A : memref<!tpu.dma_semaphore, #tpu.memory_space<semaphore_mem>>) src(%arg7 : memref<128x128xf32, #tpu.memory_space<vmem>>) dst(%dma_wait3A_45 : memref<128x128xf32, #tpu.memory_space<hbm>>)
          tpu.yield
        }) : () -> ()
      } else {
      }
    }
    %scan3A_13 = arith.constant 50 : i32
    return
  }
}

module attributes {stable_mosaic.version = 14 : i64} {
  func.func @_mask_body(%arg0: i32, %arg1: i32, %arg2: memref<200x1024xi32, #tpu.memory_space<vmem>>, %arg3: memref<8x1024xi32, #tpu.memory_space<vmem>>, %arg4: memref<200x1024xf32, #tpu.memory_space<vmem>>, %arg5: memref<8x200x1024xi8, #tpu.memory_space<vmem>>, %arg6: memref<8x200x1024xf32, #tpu.memory_space<vmem>>) attributes {dimension_semantics = [#tpu.dimension_semantics<parallel>, #tpu.dimension_semantics<parallel>], iteration_bounds = array<i64: 25, 1>, scalar_prefetch = 0 : i64, scratch_operands = 0 : i64, tpu.core_type = #tpu.core_type<tc>, window_params = [{transform_indices = @transform_0, window_bounds = array<i64: 200, 1024>}, {transform_indices = @transform_1, window_bounds = array<i64: 8, 1024>}, {transform_indices = @transform_2, window_bounds = array<i64: 200, 1024>}, {transform_indices = @transform_3, window_bounds = array<i64: 8, 200, 1024>}, {transform_indices = @transform_4, window_bounds = array<i64: 8, 200, 1024>}]} {
    %mul3A = arith.constant 8 : i32
    %mul3A_0 = arith.muli %arg0, %mul3A : i32
    %get3A = arith.constant 0 : index
    %get3A_1 = arith.constant 0 : index
    %get3A_2 = vector.load %arg2[%get3A, %get3A_1] : memref<200x1024xi32, #tpu.memory_space<vmem>>, vector<200x1024xi32>
    %sub3A = arith.constant 1 : i32
    %sub3A_3 = vector.broadcast %sub3A : i32 to vector<200x1024xi32>
    %sub3A_4 = arith.subi %get3A_2, %sub3A_3 : vector<200x1024xi32>
    %jit3A = arith.constant 0 : i32
    %jit3A_5 = arith.constant 199 : i32
    %max3A = vector.broadcast %jit3A : i32 to vector<200x1024xi32>
    %max3A_6 = arith.maxsi %max3A, %sub3A_4 : vector<200x1024xi32>
    %min3A = vector.broadcast %jit3A_5 : i32 to vector<200x1024xi32>
    %min3A_7 = arith.minsi %min3A, %max3A_6 : vector<200x1024xi32>
    %gt3A = arith.constant 0 : i32
    %gt3A_8 = vector.broadcast %gt3A : i32 to vector<200x1024xi32>
    %gt3A_9 = arith.cmpi sgt, %get3A_2, %gt3A_8 : vector<200x1024xi32>
    %iota3A = tpu.iota {dimensions = array<i32: 0>} : vector<8x200x1024xi32>
    %add3A = vector.broadcast %mul3A_0 : i32 to vector<8x200x1024xi32>
    %add3A_10 = arith.addi %add3A, %iota3A : vector<8x200x1024xi32>
    %iota3A_11 = tpu.iota {dimensions = array<i32: 1>} : vector<8x200x1024xi32>
    %get3A_12 = arith.constant 0 : index
    %get3A_13 = arith.constant 0 : index
    %get3A_14 = vector.load %arg3[%get3A_12, %get3A_13] : memref<8x1024xi32, #tpu.memory_space<vmem>>, vector<8x1024xi32>
    %sub3A_15 = arith.constant 1 : i32
    %sub3A_16 = vector.broadcast %sub3A_15 : i32 to vector<8x1024xi32>
    %sub3A_17 = arith.subi %get3A_14, %sub3A_16 : vector<8x1024xi32>
    %jit3A_18 = arith.constant 0 : i32
    %jit3A_19 = arith.constant 199 : i32
    %max3A_20 = vector.broadcast %jit3A_18 : i32 to vector<8x1024xi32>
    %max3A_21 = arith.maxsi %max3A_20, %sub3A_17 : vector<8x1024xi32>
    %min3A_22 = vector.broadcast %jit3A_19 : i32 to vector<8x1024xi32>
    %min3A_23 = arith.minsi %min3A_22, %max3A_21 : vector<8x1024xi32>
    %broadcast_in_dim3A = vector.shape_cast %min3A_23 : vector<8x1024xi32> to vector<8x1x1024xi32>
    %gt3A_24 = arith.constant 0 : i32
    %gt3A_25 = vector.broadcast %gt3A_24 : i32 to vector<8x1024xi32>
    %gt3A_26 = arith.cmpi sgt, %get3A_14, %gt3A_25 : vector<8x1024xi32>
    %broadcast_in_dim3A_27 = vector.shape_cast %gt3A_26 : vector<8x1024xi1> to vector<8x1x1024xi1>
    %eq3A = vector.broadcast %broadcast_in_dim3A : vector<8x1x1024xi32> to vector<8x200x1024xi32>
    %eq3A_28 = arith.cmpi eq, %eq3A, %iota3A_11 : vector<8x200x1024xi32>
    %and3A = vector.broadcast %broadcast_in_dim3A_27 : vector<8x1x1024xi1> to vector<8x200x1024xi1>
    %and3A_29 = arith.andi %eq3A_28, %and3A : vector<8x200x1024xi1>
    %broadcast_in_dim3A_30 = vector.shape_cast %min3A_7 : vector<200x1024xi32> to vector<1x200x1024xi32>
    %eq3A_31 = vector.broadcast %broadcast_in_dim3A_30 : vector<1x200x1024xi32> to vector<8x200x1024xi32>
    %eq3A_32 = arith.cmpi eq, %eq3A_31, %add3A_10 : vector<8x200x1024xi32>
    %broadcast_in_dim3A_33 = vector.shape_cast %gt3A_9 : vector<200x1024xi1> to vector<1x200x1024xi1>
    %and3A_34 = vector.broadcast %broadcast_in_dim3A_33 : vector<1x200x1024xi1> to vector<8x200x1024xi1>
    %and3A_35 = arith.andi %eq3A_32, %and3A_34 : vector<8x200x1024xi1>
    %or3A = arith.ori %and3A_29, %and3A_35 : vector<8x200x1024xi1>
    %eq3A_36 = arith.cmpi eq, %add3A_10, %iota3A_11 : vector<8x200x1024xi32>
    %or3A_37 = arith.ori %or3A, %eq3A_36 : vector<8x200x1024xi1>
    %convert_element_type3A = arith.extui %or3A_37 : vector<8x200x1024xi1> to vector<8x200x1024xi32>
    %convert_element_type3A_38 = arith.sitofp %convert_element_type3A : vector<8x200x1024xi32> to vector<8x200x1024xf32>
    %swap3A = arith.constant 0 : index
    %swap3A_39 = arith.constant 0 : index
    %swap3A_40 = arith.constant 0 : index
    %swap3A_41 = vector.load %arg6[%swap3A, %swap3A_39, %swap3A_40] : memref<8x200x1024xf32, #tpu.memory_space<vmem>>, vector<8x200x1024xf32>
    tpu.vector_store %arg6[%swap3A, %swap3A_39, %swap3A_40], %convert_element_type3A_38 {strides = array<i32>} : memref<8x200x1024xf32, #tpu.memory_space<vmem>>, vector<8x200x1024xf32>,
    %get3A_42 = arith.constant 0 : index
    %get3A_43 = arith.constant 0 : index
    %get3A_44 = vector.load %arg4[%get3A_42, %get3A_43] : memref<200x1024xf32, #tpu.memory_space<vmem>>, vector<200x1024xf32>
    %eq3A_45 = arith.constant 0.000000e+00 : f32
    %eq3A_46 = vector.broadcast %eq3A_45 : f32 to vector<200x1024xf32>
    %eq3A_47 = arith.cmpf oeq, %get3A_44, %eq3A_46 : vector<200x1024xf32>
    %convert_element_type3A_48 = arith.extui %eq3A_47 : vector<200x1024xi1> to vector<200x1024xi32>
    %reduce_sum3A = arith.constant dense<0> : vector<1024xi32>
    %reduce_sum3A_49 = vector.multi_reduction <add>, %convert_element_type3A_48, %reduce_sum3A [0] : vector<200x1024xi32> to vector<1024xi32>
    %broadcast_in_dim3A_50 = vector.shape_cast %reduce_sum3A_49 : vector<1024xi32> to vector<1x1024xi32>
    %iota3A_51 = tpu.iota {dimensions = array<i32: 0>} : vector<200x1024xi32>
    %lt3A = vector.broadcast %broadcast_in_dim3A_50 : vector<1x1024xi32> to vector<200x1024xi32>
    %lt3A_52 = arith.cmpi slt, %iota3A_51, %lt3A : vector<200x1024xi32>
    %not3A = arith.constant dense<true> : vector<200x1024xi1>
    %not3A_53 = arith.xori %lt3A_52, %not3A : vector<200x1024xi1>
    %broadcast_in_dim3A_54 = vector.shape_cast %not3A_53 : vector<200x1024xi1> to vector<1x200x1024xi1>
    %broadcast_in_dim3A_55 = vector.shape_cast %broadcast_in_dim3A_54 : vector<1x200x1024xi1> to vector<1x200x1024xi1>
    %broadcast_in_dim3A_56 = vector.broadcast %broadcast_in_dim3A_55 : vector<1x200x1024xi1> to vector<8x200x1024xi1>
    %convert_element_type3A_57 = arith.extui %broadcast_in_dim3A_56 : vector<8x200x1024xi1> to vector<8x200x1024xi32>
    %le3A = arith.cmpi sle, %iota3A_11, %add3A_10 : vector<8x200x1024xi32>
    %not3A_58 = arith.constant dense<true> : vector<8x200x1024xi1>
    %not3A_59 = arith.xori %le3A, %not3A_58 : vector<8x200x1024xi1>
    %convert_element_type3A_60 = arith.extui %not3A_59 : vector<8x200x1024xi1> to vector<8x200x1024xi32>
    %not3A_61 = arith.constant dense<true> : vector<8x200x1024xi1>
    %not3A_62 = arith.xori %or3A_37, %not3A_61 : vector<8x200x1024xi1>
    %convert_element_type3A_63 = arith.extui %not3A_62 : vector<8x200x1024xi1> to vector<8x200x1024xi32>
    %mul3A_64 = arith.constant 2 : i32
    %mul3A_65 = vector.broadcast %mul3A_64 : i32 to vector<8x200x1024xi32>
    %mul3A_66 = arith.muli %convert_element_type3A_57, %mul3A_65 : vector<8x200x1024xi32>
    %or3A_67 = arith.ori %convert_element_type3A_63, %mul3A_66 : vector<8x200x1024xi32>
    %mul3A_68 = arith.constant 4 : i32
    %mul3A_69 = vector.broadcast %mul3A_68 : i32 to vector<8x200x1024xi32>
    %mul3A_70 = arith.muli %convert_element_type3A_60, %mul3A_69 : vector<8x200x1024xi32>
    %or3A_71 = arith.ori %or3A_67, %mul3A_70 : vector<8x200x1024xi32>
    %convert_element_type3A_72 = arith.trunci %or3A_71 : vector<8x200x1024xi32> to vector<8x200x1024xi8>
    %swap3A_73 = arith.constant 0 : index
    %swap3A_74 = arith.constant 0 : index
    %swap3A_75 = arith.constant 0 : index
    %swap3A_76 = vector.load %arg5[%swap3A_73, %swap3A_74, %swap3A_75] : memref<8x200x1024xi8, #tpu.memory_space<vmem>>, vector<8x200x1024xi8>
    tpu.vector_store %arg5[%swap3A_73, %swap3A_74, %swap3A_75], %convert_element_type3A_72 {strides = array<i32>} : memref<8x200x1024xi8, #tpu.memory_space<vmem>>, vector<8x200x1024xi8>,
    return
  }
  func.func @transform_0(%arg0: i32, %arg1: i32) -> (i32, i32) {
    %c0_i32 = arith.constant 0 : i32
    %c0_i32_0 = arith.constant 0 : i32
    return %c0_i32, %arg1 : i32, i32
  }
  func.func @transform_1(%arg0: i32, %arg1: i32) -> (i32, i32) {
    %c0_i32 = arith.constant 0 : i32
    return %arg0, %arg1 : i32, i32
  }
  func.func @transform_2(%arg0: i32, %arg1: i32) -> (i32, i32) {
    %c0_i32 = arith.constant 0 : i32
    %c0_i32_0 = arith.constant 0 : i32
    return %c0_i32, %arg1 : i32, i32
  }
  func.func @transform_3(%arg0: i32, %arg1: i32) -> (i32, i32, i32) {
    %c0_i32 = arith.constant 0 : i32
    %c0_i32_0 = arith.constant 0 : i32
    return %arg0, %c0_i32, %arg1 : i32, i32, i32
  }
  func.func @transform_4(%arg0: i32, %arg1: i32) -> (i32, i32, i32) {
    %c0_i32 = arith.constant 0 : i32
    %c0_i32_0 = arith.constant 0 : i32
    return %arg0, %c0_i32, %arg1 : i32, i32, i32
  }
}

module attributes {stable_mosaic.version = 14 : i64} {
  func.func @_emb_body(%arg0: i32, %arg1: i32, %arg2: memref<10x1024x128xf32, #tpu.memory_space<vmem>>, %arg3: memref<10x1x1024xi32, #tpu.memory_space<vmem>>, %arg4: memref<10x1x1024xi32, #tpu.memory_space<vmem>>, %arg5: memref<64x70xf32, #tpu.memory_space<vmem>>, %arg6: memref<10x192x1xf32, #tpu.memory_space<vmem>>, %arg7: memref<192x1xf32, #tpu.memory_space<vmem>>, %arg8: memref<192x1xf32, #tpu.memory_space<vmem>>, %arg9: memref<10x192x1024xf32, #tpu.memory_space<vmem>>) attributes {dimension_semantics = [#tpu.dimension_semantics<parallel>, #tpu.dimension_semantics<parallel>], iteration_bounds = array<i64: 20, 1>, scalar_prefetch = 0 : i64, scratch_operands = 0 : i64, tpu.core_type = #tpu.core_type<tc>, window_params = [{transform_indices = @transform_0, window_bounds = array<i64: 10, 1024, 128>}, {transform_indices = @transform_1, window_bounds = array<i64: 10, 1, 1024>}, {transform_indices = @transform_2, window_bounds = array<i64: 10, 1, 1024>}, {pipeline_mode = #tpu.pipeline_mode<synchronous>, transform_indices = @transform_3, window_bounds = array<i64: 64, 70>}, {transform_indices = @transform_4, window_bounds = array<i64: 10, 192, 1>}, {pipeline_mode = #tpu.pipeline_mode<synchronous>, transform_indices = @transform_5, window_bounds = array<i64: 192, 1>}, {pipeline_mode = #tpu.pipeline_mode<synchronous>, transform_indices = @transform_6, window_bounds = array<i64: 192, 1>}, {transform_indices = @transform_7, window_bounds = array<i64: 10, 192, 1024>}]} {
    %iota3A = tpu.iota {dimensions = array<i32: 0>} : vector<70x1024xi32>
    %get3A = arith.constant 0 : index
    %get3A_0 = arith.constant 0 : index
    %get3A_1 = arith.constant 0 : index
    %get3A_2 = vector.load %arg2[%get3A, %get3A_0, %get3A_1] : memref<10x1024x128xf32, #tpu.memory_space<vmem>>, vector<1x1024x128xf32>
    %get3A_3 = vector.shape_cast %get3A_2 : vector<1x1024x128xf32> to vector<1024x128xf32>
    %transpose3A = tpu.transpose %get3A_3, [1, 0] : vector<1024x128xf32> -> vector<128x1024xf32>
    %get3A_4 = arith.constant 0 : index
    %get3A_5 = arith.constant 0 : index
    %get3A_6 = arith.constant 0 : index
    %get3A_7 = vector.load %arg3[%get3A_4, %get3A_5, %get3A_6] : memref<10x1x1024xi32, #tpu.memory_space<vmem>>, vector<1x1x1024xi32>
    %get3A_8 = vector.shape_cast %get3A_7 : vector<1x1x1024xi32> to vector<1x1024xi32>
    %get3A_9 = arith.constant 0 : index
    %get3A_10 = arith.constant 0 : index
    %get3A_11 = arith.constant 0 : index
    %get3A_12 = vector.load %arg4[%get3A_9, %get3A_10, %get3A_11] : memref<10x1x1024xi32, #tpu.memory_space<vmem>>, vector<1x1x1024xi32>
    %get3A_13 = vector.shape_cast %get3A_12 : vector<1x1x1024xi32> to vector<1x1024xi32>
    %eq3A = vector.broadcast %get3A_8 : vector<1x1024xi32> to vector<70x1024xi32>
    %eq3A_14 = arith.cmpi eq, %iota3A, %eq3A : vector<70x1024xi32>
    %add3A = arith.constant 50 : i32
    %add3A_15 = vector.broadcast %add3A : i32 to vector<1x1024xi32>
    %add3A_16 = arith.addi %get3A_13, %add3A_15 : vector<1x1024xi32>
    %eq3A_17 = vector.broadcast %add3A_16 : vector<1x1024xi32> to vector<70x1024xi32>
    %eq3A_18 = arith.cmpi eq, %iota3A, %eq3A_17 : vector<70x1024xi32>
    %or3A = arith.ori %eq3A_14, %eq3A_18 : vector<70x1024xi1>
    %convert_element_type3A = arith.extui %or3A : vector<70x1024xi1> to vector<70x1024xi32>
    %convert_element_type3A_19 = arith.sitofp %convert_element_type3A : vector<70x1024xi32> to vector<70x1024xf32>
    %get3A_20 = arith.constant 0 : index
    %get3A_21 = arith.constant 0 : index
    %get3A_22 = vector.load %arg5[%get3A_20, %get3A_21] : memref<64x70xf32, #tpu.memory_space<vmem>>, vector<64x70xf32>
    %dot_general3A = arith.constant dense<0.000000e+00> : vector<64x1024xf32>
    %dot_general3A_23 = tpu.matmul %get3A_22, %convert_element_type3A_19, %dot_general3A {dimension_numbers = #tpu.dot_dimension_numbers<[1], [0], [0], [1], [0, 0, 1, 1], [], []>, transpose_lhs_hint = false} : vector<64x70xf32>, vector<70x1024xf32>, vector<64x1024xf32> -> vector<64x1024xf32>
    %concatenate3A = tpu.concatenate %transpose3A, %dot_general3A_23 in 0 : vector<128x1024xf32>, vector<64x1024xf32> -> vector<192x1024xf32>
    %get3A_24 = arith.constant 0 : index
    %get3A_25 = arith.constant 0 : index
    %get3A_26 = arith.constant 0 : index
    %get3A_27 = vector.load %arg6[%get3A_24, %get3A_25, %get3A_26] : memref<10x192x1xf32, #tpu.memory_space<vmem>>, vector<1x192x1xf32>
    %get3A_28 = vector.shape_cast %get3A_27 : vector<1x192x1xf32> to vector<192x1xf32>
    %add3A_29 = vector.broadcast %get3A_28 : vector<192x1xf32> to vector<192x1024xf32>
    %add3A_30 = arith.addf %concatenate3A, %add3A_29 : vector<192x1024xf32>
    %reduce_sum3A = arith.constant dense<0.000000e+00> : vector<1024xf32>
    %reduce_sum3A_31 = vector.multi_reduction <add>, %add3A_30, %reduce_sum3A [0] : vector<192x1024xf32> to vector<1024xf32>
    %broadcast_in_dim3A = vector.shape_cast %reduce_sum3A_31 : vector<1024xf32> to vector<1x1024xf32>
    %div3A = arith.constant 1.920000e+02 : f32
    %div3A_32 = vector.broadcast %div3A : f32 to vector<1x1024xf32>
    %div3A_33 = arith.divf %broadcast_in_dim3A, %div3A_32 : vector<1x1024xf32>
    %sub3A = vector.broadcast %div3A_33 : vector<1x1024xf32> to vector<192x1024xf32>
    %sub3A_34 = arith.subf %add3A_30, %sub3A : vector<192x1024xf32>
    %sub3A_35 = vector.broadcast %div3A_33 : vector<1x1024xf32> to vector<192x1024xf32>
    %sub3A_36 = arith.subf %add3A_30, %sub3A_35 : vector<192x1024xf32>
    %mul3A = arith.mulf %sub3A_34, %sub3A_36 : vector<192x1024xf32>
    %reduce_sum3A_37 = arith.constant dense<0.000000e+00> : vector<1024xf32>
    %reduce_sum3A_38 = vector.multi_reduction <add>, %mul3A, %reduce_sum3A_37 [0] : vector<192x1024xf32> to vector<1024xf32>
    %broadcast_in_dim3A_39 = vector.shape_cast %reduce_sum3A_38 : vector<1024xf32> to vector<1x1024xf32>
    %div3A_40 = arith.constant 1.920000e+02 : f32
    %div3A_41 = vector.broadcast %div3A_40 : f32 to vector<1x1024xf32>
    %div3A_42 = arith.divf %broadcast_in_dim3A_39, %div3A_41 : vector<1x1024xf32>
    %sub3A_43 = vector.broadcast %div3A_33 : vector<1x1024xf32> to vector<192x1024xf32>
    %sub3A_44 = arith.subf %add3A_30, %sub3A_43 : vector<192x1024xf32>
    %add3A_45 = arith.constant 9.99999974E-6 : f32
    %add3A_46 = vector.broadcast %add3A_45 : f32 to vector<1x1024xf32>
    %add3A_47 = arith.addf %div3A_42, %add3A_46 : vector<1x1024xf32>
    %rsqrt3A = math.rsqrt %add3A_47 : vector<1x1024xf32>
    %mul3A_48 = vector.broadcast %rsqrt3A : vector<1x1024xf32> to vector<192x1024xf32>
    %mul3A_49 = arith.mulf %sub3A_44, %mul3A_48 : vector<192x1024xf32>
    %get3A_50 = arith.constant 0 : index
    %get3A_51 = arith.constant 0 : index
    %get3A_52 = vector.load %arg7[%get3A_50, %get3A_51] : memref<192x1xf32, #tpu.memory_space<vmem>>, vector<192x1xf32>
    %mul3A_53 = vector.broadcast %get3A_52 : vector<192x1xf32> to vector<192x1024xf32>
    %mul3A_54 = arith.mulf %mul3A_49, %mul3A_53 : vector<192x1024xf32>
    %get3A_55 = arith.constant 0 : index
    %get3A_56 = arith.constant 0 : index
    %get3A_57 = vector.load %arg8[%get3A_55, %get3A_56] : memref<192x1xf32, #tpu.memory_space<vmem>>, vector<192x1xf32>
    %add3A_58 = vector.broadcast %get3A_57 : vector<192x1xf32> to vector<192x1024xf32>
    %add3A_59 = arith.addf %mul3A_54, %add3A_58 : vector<192x1024xf32>
    %swap3A = arith.constant 0 : index
    %swap3A_60 = arith.constant 0 : index
    %swap3A_61 = arith.constant 0 : index
    %swap3A_62 = vector.load %arg9[%swap3A, %swap3A_60, %swap3A_61] : memref<10x192x1024xf32, #tpu.memory_space<vmem>>, vector<1x192x1024xf32>
    %swap3A_63 = vector.shape_cast %swap3A_62 : vector<1x192x1024xf32> to vector<192x1024xf32>
    %swap3A_64 = vector.shape_cast %add3A_59 : vector<192x1024xf32> to vector<1x192x1024xf32>
    tpu.vector_store %arg9[%swap3A, %swap3A_60, %swap3A_61], %swap3A_64 {strides = array<i32>} : memref<10x192x1024xf32, #tpu.memory_space<vmem>>, vector<1x192x1024xf32>,
    %get3A_65 = arith.constant 1 : index
    %get3A_66 = arith.constant 0 : index
    %get3A_67 = arith.constant 0 : index
    %get3A_68 = vector.load %arg2[%get3A_65, %get3A_66, %get3A_67] : memref<10x1024x128xf32, #tpu.memory_space<vmem>>, vector<1x1024x128xf32>
    %get3A_69 = vector.shape_cast %get3A_68 : vector<1x1024x128xf32> to vector<1024x128xf32>
    %transpose3A_70 = tpu.transpose %get3A_69, [1, 0] : vector<1024x128xf32> -> vector<128x1024xf32>
    %get3A_71 = arith.constant 1 : index
    %get3A_72 = arith.constant 0 : index
    %get3A_73 = arith.constant 0 : index
    %get3A_74 = vector.load %arg3[%get3A_71, %get3A_72, %get3A_73] : memref<10x1x1024xi32, #tpu.memory_space<vmem>>, vector<1x1x1024xi32>
    %get3A_75 = vector.shape_cast %get3A_74 : vector<1x1x1024xi32> to vector<1x1024xi32>
    %get3A_76 = arith.constant 1 : index
    %get3A_77 = arith.constant 0 : index
    %get3A_78 = arith.constant 0 : index
    %get3A_79 = vector.load %arg4[%get3A_76, %get3A_77, %get3A_78] : memref<10x1x1024xi32, #tpu.memory_space<vmem>>, vector<1x1x1024xi32>
    %get3A_80 = vector.shape_cast %get3A_79 : vector<1x1x1024xi32> to vector<1x1024xi32>
    %eq3A_81 = vector.broadcast %get3A_75 : vector<1x1024xi32> to vector<70x1024xi32>
    %eq3A_82 = arith.cmpi eq, %iota3A, %eq3A_81 : vector<70x1024xi32>
    %add3A_83 = arith.constant 50 : i32
    %add3A_84 = vector.broadcast %add3A_83 : i32 to vector<1x1024xi32>
    %add3A_85 = arith.addi %get3A_80, %add3A_84 : vector<1x1024xi32>
    %eq3A_86 = vector.broadcast %add3A_85 : vector<1x1024xi32> to vector<70x1024xi32>
    %eq3A_87 = arith.cmpi eq, %iota3A, %eq3A_86 : vector<70x1024xi32>
    %or3A_88 = arith.ori %eq3A_82, %eq3A_87 : vector<70x1024xi1>
    %convert_element_type3A_89 = arith.extui %or3A_88 : vector<70x1024xi1> to vector<70x1024xi32>
    %convert_element_type3A_90 = arith.sitofp %convert_element_type3A_89 : vector<70x1024xi32> to vector<70x1024xf32>
    %get3A_91 = arith.constant 0 : index
    %get3A_92 = arith.constant 0 : index
    %get3A_93 = vector.load %arg5[%get3A_91, %get3A_92] : memref<64x70xf32, #tpu.memory_space<vmem>>, vector<64x70xf32>
    %dot_general3A_94 = arith.constant dense<0.000000e+00> : vector<64x1024xf32>
    %dot_general3A_95 = tpu.matmul %get3A_93, %convert_element_type3A_90, %dot_general3A_94 {dimension_numbers = #tpu.dot_dimension_numbers<[1], [0], [0], [1], [0, 0, 1, 1], [], []>, transpose_lhs_hint = false} : vector<64x70xf32>, vector<70x1024xf32>, vector<64x1024xf32> -> vector<64x1024xf32>
    %concatenate3A_96 = tpu.concatenate %transpose3A_70, %dot_general3A_95 in 0 : vector<128x1024xf32>, vector<64x1024xf32> -> vector<192x1024xf32>
    %get3A_97 = arith.constant 1 : index
    %get3A_98 = arith.constant 0 : index
    %get3A_99 = arith.constant 0 : index
    %get3A_100 = vector.load %arg6[%get3A_97, %get3A_98, %get3A_99] : memref<10x192x1xf32, #tpu.memory_space<vmem>>, vector<1x192x1xf32>
    %get3A_101 = vector.shape_cast %get3A_100 : vector<1x192x1xf32> to vector<192x1xf32>
    %add3A_102 = vector.broadcast %get3A_101 : vector<192x1xf32> to vector<192x1024xf32>
    %add3A_103 = arith.addf %concatenate3A_96, %add3A_102 : vector<192x1024xf32>
    %reduce_sum3A_104 = arith.constant dense<0.000000e+00> : vector<1024xf32>
    %reduce_sum3A_105 = vector.multi_reduction <add>, %add3A_103, %reduce_sum3A_104 [0] : vector<192x1024xf32> to vector<1024xf32>
    %broadcast_in_dim3A_106 = vector.shape_cast %reduce_sum3A_105 : vector<1024xf32> to vector<1x1024xf32>
    %div3A_107 = arith.constant 1.920000e+02 : f32
    %div3A_108 = vector.broadcast %div3A_107 : f32 to vector<1x1024xf32>
    %div3A_109 = arith.divf %broadcast_in_dim3A_106, %div3A_108 : vector<1x1024xf32>
    %sub3A_110 = vector.broadcast %div3A_109 : vector<1x1024xf32> to vector<192x1024xf32>
    %sub3A_111 = arith.subf %add3A_103, %sub3A_110 : vector<192x1024xf32>
    %sub3A_112 = vector.broadcast %div3A_109 : vector<1x1024xf32> to vector<192x1024xf32>
    %sub3A_113 = arith.subf %add3A_103, %sub3A_112 : vector<192x1024xf32>
    %mul3A_114 = arith.mulf %sub3A_111, %sub3A_113 : vector<192x1024xf32>
    %reduce_sum3A_115 = arith.constant dense<0.000000e+00> : vector<1024xf32>
    %reduce_sum3A_116 = vector.multi_reduction <add>, %mul3A_114, %reduce_sum3A_115 [0] : vector<192x1024xf32> to vector<1024xf32>
    %broadcast_in_dim3A_117 = vector.shape_cast %reduce_sum3A_116 : vector<1024xf32> to vector<1x1024xf32>
    %div3A_118 = arith.constant 1.920000e+02 : f32
    %div3A_119 = vector.broadcast %div3A_118 : f32 to vector<1x1024xf32>
    %div3A_120 = arith.divf %broadcast_in_dim3A_117, %div3A_119 : vector<1x1024xf32>
    %sub3A_121 = vector.broadcast %div3A_109 : vector<1x1024xf32> to vector<192x1024xf32>
    %sub3A_122 = arith.subf %add3A_103, %sub3A_121 : vector<192x1024xf32>
    %add3A_123 = arith.constant 9.99999974E-6 : f32
    %add3A_124 = vector.broadcast %add3A_123 : f32 to vector<1x1024xf32>
    %add3A_125 = arith.addf %div3A_120, %add3A_124 : vector<1x1024xf32>
    %rsqrt3A_126 = math.rsqrt %add3A_125 : vector<1x1024xf32>
    %mul3A_127 = vector.broadcast %rsqrt3A_126 : vector<1x1024xf32> to vector<192x1024xf32>
    %mul3A_128 = arith.mulf %sub3A_122, %mul3A_127 : vector<192x1024xf32>
    %get3A_129 = arith.constant 0 : index
    %get3A_130 = arith.constant 0 : index
    %get3A_131 = vector.load %arg7[%get3A_129, %get3A_130] : memref<192x1xf32, #tpu.memory_space<vmem>>, vector<192x1xf32>
    %mul3A_132 = vector.broadcast %get3A_131 : vector<192x1xf32> to vector<192x1024xf32>
    %mul3A_133 = arith.mulf %mul3A_128, %mul3A_132 : vector<192x1024xf32>
    %get3A_134 = arith.constant 0 : index
    %get3A_135 = arith.constant 0 : index
    %get3A_136 = vector.load %arg8[%get3A_134, %get3A_135] : memref<192x1xf32, #tpu.memory_space<vmem>>, vector<192x1xf32>
    %add3A_137 = vector.broadcast %get3A_136 : vector<192x1xf32> to vector<192x1024xf32>
    %add3A_138 = arith.addf %mul3A_133, %add3A_137 : vector<192x1024xf32>
    %swap3A_139 = arith.constant 1 : index
    %swap3A_140 = arith.constant 0 : index
    %swap3A_141 = arith.constant 0 : index
    %swap3A_142 = vector.load %arg9[%swap3A_139, %swap3A_140, %swap3A_141] : memref<10x192x1024xf32, #tpu.memory_space<vmem>>, vector<1x192x1024xf32>
    %swap3A_143 = vector.shape_cast %swap3A_142 : vector<1x192x1024xf32> to vector<192x1024xf32>
    %swap3A_144 = vector.shape_cast %add3A_138 : vector<192x1024xf32> to vector<1x192x1024xf32>
    tpu.vector_store %arg9[%swap3A_139, %swap3A_140, %swap3A_141], %swap3A_144 {strides = array<i32>} : memref<10x192x1024xf32, #tpu.memory_space<vmem>>, vector<1x192x1024xf32>,
    %get3A_145 = arith.constant 2 : index
    %get3A_146 = arith.constant 0 : index
    %get3A_147 = arith.constant 0 : index
    %get3A_148 = vector.load %arg2[%get3A_145, %get3A_146, %get3A_147] : memref<10x1024x128xf32, #tpu.memory_space<vmem>>, vector<1x1024x128xf32>
    %get3A_149 = vector.shape_cast %get3A_148 : vector<1x1024x128xf32> to vector<1024x128xf32>
    %transpose3A_150 = tpu.transpose %get3A_149, [1, 0] : vector<1024x128xf32> -> vector<128x1024xf32>
    %get3A_151 = arith.constant 2 : index
    %get3A_152 = arith.constant 0 : index
    %get3A_153 = arith.constant 0 : index
    %get3A_154 = vector.load %arg3[%get3A_151, %get3A_152, %get3A_153] : memref<10x1x1024xi32, #tpu.memory_space<vmem>>, vector<1x1x1024xi32>
    %get3A_155 = vector.shape_cast %get3A_154 : vector<1x1x1024xi32> to vector<1x1024xi32>
    %get3A_156 = arith.constant 2 : index
    %get3A_157 = arith.constant 0 : index
    %get3A_158 = arith.constant 0 : index
    %get3A_159 = vector.load %arg4[%get3A_156, %get3A_157, %get3A_158] : memref<10x1x1024xi32, #tpu.memory_space<vmem>>, vector<1x1x1024xi32>
    %get3A_160 = vector.shape_cast %get3A_159 : vector<1x1x1024xi32> to vector<1x1024xi32>
    %eq3A_161 = vector.broadcast %get3A_155 : vector<1x1024xi32> to vector<70x1024xi32>
    %eq3A_162 = arith.cmpi eq, %iota3A, %eq3A_161 : vector<70x1024xi32>
    %add3A_163 = arith.constant 50 : i32
    %add3A_164 = vector.broadcast %add3A_163 : i32 to vector<1x1024xi32>
    %add3A_165 = arith.addi %get3A_160, %add3A_164 : vector<1x1024xi32>
    %eq3A_166 = vector.broadcast %add3A_165 : vector<1x1024xi32> to vector<70x1024xi32>
    %eq3A_167 = arith.cmpi eq, %iota3A, %eq3A_166 : vector<70x1024xi32>
    %or3A_168 = arith.ori %eq3A_162, %eq3A_167 : vector<70x1024xi1>
    %convert_element_type3A_169 = arith.extui %or3A_168 : vector<70x1024xi1> to vector<70x1024xi32>
    %convert_element_type3A_170 = arith.sitofp %convert_element_type3A_169 : vector<70x1024xi32> to vector<70x1024xf32>
    %get3A_171 = arith.constant 0 : index
    %get3A_172 = arith.constant 0 : index
    %get3A_173 = vector.load %arg5[%get3A_171, %get3A_172] : memref<64x70xf32, #tpu.memory_space<vmem>>, vector<64x70xf32>
    %dot_general3A_174 = arith.constant dense<0.000000e+00> : vector<64x1024xf32>
    %dot_general3A_175 = tpu.matmul %get3A_173, %convert_element_type3A_170, %dot_general3A_174 {dimension_numbers = #tpu.dot_dimension_numbers<[1], [0], [0], [1], [0, 0, 1, 1], [], []>, transpose_lhs_hint = false} : vector<64x70xf32>, vector<70x1024xf32>, vector<64x1024xf32> -> vector<64x1024xf32>
    %concatenate3A_176 = tpu.concatenate %transpose3A_150, %dot_general3A_175 in 0 : vector<128x1024xf32>, vector<64x1024xf32> -> vector<192x1024xf32>
    %get3A_177 = arith.constant 2 : index
    %get3A_178 = arith.constant 0 : index
    %get3A_179 = arith.constant 0 : index
    %get3A_180 = vector.load %arg6[%get3A_177, %get3A_178, %get3A_179] : memref<10x192x1xf32, #tpu.memory_space<vmem>>, vector<1x192x1xf32>
    %get3A_181 = vector.shape_cast %get3A_180 : vector<1x192x1xf32> to vector<192x1xf32>
    %add3A_182 = vector.broadcast %get3A_181 : vector<192x1xf32> to vector<192x1024xf32>
    %add3A_183 = arith.addf %concatenate3A_176, %add3A_182 : vector<192x1024xf32>
    %reduce_sum3A_184 = arith.constant dense<0.000000e+00> : vector<1024xf32>
    %reduce_sum3A_185 = vector.multi_reduction <add>, %add3A_183, %reduce_sum3A_184 [0] : vector<192x1024xf32> to vector<1024xf32>
    %broadcast_in_dim3A_186 = vector.shape_cast %reduce_sum3A_185 : vector<1024xf32> to vector<1x1024xf32>
    %div3A_187 = arith.constant 1.920000e+02 : f32
    %div3A_188 = vector.broadcast %div3A_187 : f32 to vector<1x1024xf32>
    %div3A_189 = arith.divf %broadcast_in_dim3A_186, %div3A_188 : vector<1x1024xf32>
    %sub3A_190 = vector.broadcast %div3A_189 : vector<1x1024xf32> to vector<192x1024xf32>
    %sub3A_191 = arith.subf %add3A_183, %sub3A_190 : vector<192x1024xf32>
    %sub3A_192 = vector.broadcast %div3A_189 : vector<1x1024xf32> to vector<192x1024xf32>
    %sub3A_193 = arith.subf %add3A_183, %sub3A_192 : vector<192x1024xf32>
    %mul3A_194 = arith.mulf %sub3A_191, %sub3A_193 : vector<192x1024xf32>
    %reduce_sum3A_195 = arith.constant dense<0.000000e+00> : vector<1024xf32>
    %reduce_sum3A_196 = vector.multi_reduction <add>, %mul3A_194, %reduce_sum3A_195 [0] : vector<192x1024xf32> to vector<1024xf32>
    %broadcast_in_dim3A_197 = vector.shape_cast %reduce_sum3A_196 : vector<1024xf32> to vector<1x1024xf32>
    %div3A_198 = arith.constant 1.920000e+02 : f32
    %div3A_199 = vector.broadcast %div3A_198 : f32 to vector<1x1024xf32>
    %div3A_200 = arith.divf %broadcast_in_dim3A_197, %div3A_199 : vector<1x1024xf32>
    %sub3A_201 = vector.broadcast %div3A_189 : vector<1x1024xf32> to vector<192x1024xf32>
    %sub3A_202 = arith.subf %add3A_183, %sub3A_201 : vector<192x1024xf32>
    %add3A_203 = arith.constant 9.99999974E-6 : f32
    %add3A_204 = vector.broadcast %add3A_203 : f32 to vector<1x1024xf32>
    %add3A_205 = arith.addf %div3A_200, %add3A_204 : vector<1x1024xf32>
    %rsqrt3A_206 = math.rsqrt %add3A_205 : vector<1x1024xf32>
    %mul3A_207 = vector.broadcast %rsqrt3A_206 : vector<1x1024xf32> to vector<192x1024xf32>
    %mul3A_208 = arith.mulf %sub3A_202, %mul3A_207 : vector<192x1024xf32>
    %get3A_209 = arith.constant 0 : index
    %get3A_210 = arith.constant 0 : index
    %get3A_211 = vector.load %arg7[%get3A_209, %get3A_210] : memref<192x1xf32, #tpu.memory_space<vmem>>, vector<192x1xf32>
    %mul3A_212 = vector.broadcast %get3A_211 : vector<192x1xf32> to vector<192x1024xf32>
    %mul3A_213 = arith.mulf %mul3A_208, %mul3A_212 : vector<192x1024xf32>
    %get3A_214 = arith.constant 0 : index
    %get3A_215 = arith.constant 0 : index
    %get3A_216 = vector.load %arg8[%get3A_214, %get3A_215] : memref<192x1xf32, #tpu.memory_space<vmem>>, vector<192x1xf32>
    %add3A_217 = vector.broadcast %get3A_216 : vector<192x1xf32> to vector<192x1024xf32>
    %add3A_218 = arith.addf %mul3A_213, %add3A_217 : vector<192x1024xf32>
    %swap3A_219 = arith.constant 2 : index
    %swap3A_220 = arith.constant 0 : index
    %swap3A_221 = arith.constant 0 : index
    %swap3A_222 = vector.load %arg9[%swap3A_219, %swap3A_220, %swap3A_221] : memref<10x192x1024xf32, #tpu.memory_space<vmem>>, vector<1x192x1024xf32>
    %swap3A_223 = vector.shape_cast %swap3A_222 : vector<1x192x1024xf32> to vector<192x1024xf32>
    %swap3A_224 = vector.shape_cast %add3A_218 : vector<192x1024xf32> to vector<1x192x1024xf32>
    tpu.vector_store %arg9[%swap3A_219, %swap3A_220, %swap3A_221], %swap3A_224 {strides = array<i32>} : memref<10x192x1024xf32, #tpu.memory_space<vmem>>, vector<1x192x1024xf32>,
    %get3A_225 = arith.constant 3 : index
    %get3A_226 = arith.constant 0 : index
    %get3A_227 = arith.constant 0 : index
    %get3A_228 = vector.load %arg2[%get3A_225, %get3A_226, %get3A_227] : memref<10x1024x128xf32, #tpu.memory_space<vmem>>, vector<1x1024x128xf32>
    %get3A_229 = vector.shape_cast %get3A_228 : vector<1x1024x128xf32> to vector<1024x128xf32>
    %transpose3A_230 = tpu.transpose %get3A_229, [1, 0] : vector<1024x128xf32> -> vector<128x1024xf32>
    %get3A_231 = arith.constant 3 : index
    %get3A_232 = arith.constant 0 : index
    %get3A_233 = arith.constant 0 : index
    %get3A_234 = vector.load %arg3[%get3A_231, %get3A_232, %get3A_233] : memref<10x1x1024xi32, #tpu.memory_space<vmem>>, vector<1x1x1024xi32>
    %get3A_235 = vector.shape_cast %get3A_234 : vector<1x1x1024xi32> to vector<1x1024xi32>
    %get3A_236 = arith.constant 3 : index
    %get3A_237 = arith.constant 0 : index
    %get3A_238 = arith.constant 0 : index
    %get3A_239 = vector.load %arg4[%get3A_236, %get3A_237, %get3A_238] : memref<10x1x1024xi32, #tpu.memory_space<vmem>>, vector<1x1x1024xi32>
    %get3A_240 = vector.shape_cast %get3A_239 : vector<1x1x1024xi32> to vector<1x1024xi32>
    %eq3A_241 = vector.broadcast %get3A_235 : vector<1x1024xi32> to vector<70x1024xi32>
    %eq3A_242 = arith.cmpi eq, %iota3A, %eq3A_241 : vector<70x1024xi32>
    %add3A_243 = arith.constant 50 : i32
    %add3A_244 = vector.broadcast %add3A_243 : i32 to vector<1x1024xi32>
    %add3A_245 = arith.addi %get3A_240, %add3A_244 : vector<1x1024xi32>
    %eq3A_246 = vector.broadcast %add3A_245 : vector<1x1024xi32> to vector<70x1024xi32>
    %eq3A_247 = arith.cmpi eq, %iota3A, %eq3A_246 : vector<70x1024xi32>
    %or3A_248 = arith.ori %eq3A_242, %eq3A_247 : vector<70x1024xi1>
    %convert_element_type3A_249 = arith.extui %or3A_248 : vector<70x1024xi1> to vector<70x1024xi32>
    %convert_element_type3A_250 = arith.sitofp %convert_element_type3A_249 : vector<70x1024xi32> to vector<70x1024xf32>
    %get3A_251 = arith.constant 0 : index
    %get3A_252 = arith.constant 0 : index
    %get3A_253 = vector.load %arg5[%get3A_251, %get3A_252] : memref<64x70xf32, #tpu.memory_space<vmem>>, vector<64x70xf32>
    %dot_general3A_254 = arith.constant dense<0.000000e+00> : vector<64x1024xf32>
    %dot_general3A_255 = tpu.matmul %get3A_253, %convert_element_type3A_250, %dot_general3A_254 {dimension_numbers = #tpu.dot_dimension_numbers<[1], [0], [0], [1], [0, 0, 1, 1], [], []>, transpose_lhs_hint = false} : vector<64x70xf32>, vector<70x1024xf32>, vector<64x1024xf32> -> vector<64x1024xf32>
    %concatenate3A_256 = tpu.concatenate %transpose3A_230, %dot_general3A_255 in 0 : vector<128x1024xf32>, vector<64x1024xf32> -> vector<192x1024xf32>
    %get3A_257 = arith.constant 3 : index
    %get3A_258 = arith.constant 0 : index
    %get3A_259 = arith.constant 0 : index
    %get3A_260 = vector.load %arg6[%get3A_257, %get3A_258, %get3A_259] : memref<10x192x1xf32, #tpu.memory_space<vmem>>, vector<1x192x1xf32>
    %get3A_261 = vector.shape_cast %get3A_260 : vector<1x192x1xf32> to vector<192x1xf32>
    %add3A_262 = vector.broadcast %get3A_261 : vector<192x1xf32> to vector<192x1024xf32>
    %add3A_263 = arith.addf %concatenate3A_256, %add3A_262 : vector<192x1024xf32>
    %reduce_sum3A_264 = arith.constant dense<0.000000e+00> : vector<1024xf32>
    %reduce_sum3A_265 = vector.multi_reduction <add>, %add3A_263, %reduce_sum3A_264 [0] : vector<192x1024xf32> to vector<1024xf32>
    %broadcast_in_dim3A_266 = vector.shape_cast %reduce_sum3A_265 : vector<1024xf32> to vector<1x1024xf32>
    %div3A_267 = arith.constant 1.920000e+02 : f32
    %div3A_268 = vector.broadcast %div3A_267 : f32 to vector<1x1024xf32>
    %div3A_269 = arith.divf %broadcast_in_dim3A_266, %div3A_268 : vector<1x1024xf32>
    %sub3A_270 = vector.broadcast %div3A_269 : vector<1x1024xf32> to vector<192x1024xf32>
    %sub3A_271 = arith.subf %add3A_263, %sub3A_270 : vector<192x1024xf32>
    %sub3A_272 = vector.broadcast %div3A_269 : vector<1x1024xf32> to vector<192x1024xf32>
    %sub3A_273 = arith.subf %add3A_263, %sub3A_272 : vector<192x1024xf32>
    %mul3A_274 = arith.mulf %sub3A_271, %sub3A_273 : vector<192x1024xf32>
    %reduce_sum3A_275 = arith.constant dense<0.000000e+00> : vector<1024xf32>
    %reduce_sum3A_276 = vector.multi_reduction <add>, %mul3A_274, %reduce_sum3A_275 [0] : vector<192x1024xf32> to vector<1024xf32>
    %broadcast_in_dim3A_277 = vector.shape_cast %reduce_sum3A_276 : vector<1024xf32> to vector<1x1024xf32>
    %div3A_278 = arith.constant 1.920000e+02 : f32
    %div3A_279 = vector.broadcast %div3A_278 : f32 to vector<1x1024xf32>
    %div3A_280 = arith.divf %broadcast_in_dim3A_277, %div3A_279 : vector<1x1024xf32>
    %sub3A_281 = vector.broadcast %div3A_269 : vector<1x1024xf32> to vector<192x1024xf32>
    %sub3A_282 = arith.subf %add3A_263, %sub3A_281 : vector<192x1024xf32>
    %add3A_283 = arith.constant 9.99999974E-6 : f32
    %add3A_284 = vector.broadcast %add3A_283 : f32 to vector<1x1024xf32>
    %add3A_285 = arith.addf %div3A_280, %add3A_284 : vector<1x1024xf32>
    %rsqrt3A_286 = math.rsqrt %add3A_285 : vector<1x1024xf32>
    %mul3A_287 = vector.broadcast %rsqrt3A_286 : vector<1x1024xf32> to vector<192x1024xf32>
    %mul3A_288 = arith.mulf %sub3A_282, %mul3A_287 : vector<192x1024xf32>
    %get3A_289 = arith.constant 0 : index
    %get3A_290 = arith.constant 0 : index
    %get3A_291 = vector.load %arg7[%get3A_289, %get3A_290] : memref<192x1xf32, #tpu.memory_space<vmem>>, vector<192x1xf32>
    %mul3A_292 = vector.broadcast %get3A_291 : vector<192x1xf32> to vector<192x1024xf32>
    %mul3A_293 = arith.mulf %mul3A_288, %mul3A_292 : vector<192x1024xf32>
    %get3A_294 = arith.constant 0 : index
    %get3A_295 = arith.constant 0 : index
    %get3A_296 = vector.load %arg8[%get3A_294, %get3A_295] : memref<192x1xf32, #tpu.memory_space<vmem>>, vector<192x1xf32>
    %add3A_297 = vector.broadcast %get3A_296 : vector<192x1xf32> to vector<192x1024xf32>
    %add3A_298 = arith.addf %mul3A_293, %add3A_297 : vector<192x1024xf32>
    %swap3A_299 = arith.constant 3 : index
    %swap3A_300 = arith.constant 0 : index
    %swap3A_301 = arith.constant 0 : index
    %swap3A_302 = vector.load %arg9[%swap3A_299, %swap3A_300, %swap3A_301] : memref<10x192x1024xf32, #tpu.memory_space<vmem>>, vector<1x192x1024xf32>
    %swap3A_303 = vector.shape_cast %swap3A_302 : vector<1x192x1024xf32> to vector<192x1024xf32>
    %swap3A_304 = vector.shape_cast %add3A_298 : vector<192x1024xf32> to vector<1x192x1024xf32>
    tpu.vector_store %arg9[%swap3A_299, %swap3A_300, %swap3A_301], %swap3A_304 {strides = array<i32>} : memref<10x192x1024xf32, #tpu.memory_space<vmem>>, vector<1x192x1024xf32>,
    %get3A_305 = arith.constant 4 : index
    %get3A_306 = arith.constant 0 : index
    %get3A_307 = arith.constant 0 : index
    %get3A_308 = vector.load %arg2[%get3A_305, %get3A_306, %get3A_307] : memref<10x1024x128xf32, #tpu.memory_space<vmem>>, vector<1x1024x128xf32>
    %get3A_309 = vector.shape_cast %get3A_308 : vector<1x1024x128xf32> to vector<1024x128xf32>
    %transpose3A_310 = tpu.transpose %get3A_309, [1, 0] : vector<1024x128xf32> -> vector<128x1024xf32>
    %get3A_311 = arith.constant 4 : index
    %get3A_312 = arith.constant 0 : index
    %get3A_313 = arith.constant 0 : index
    %get3A_314 = vector.load %arg3[%get3A_311, %get3A_312, %get3A_313] : memref<10x1x1024xi32, #tpu.memory_space<vmem>>, vector<1x1x1024xi32>
    %get3A_315 = vector.shape_cast %get3A_314 : vector<1x1x1024xi32> to vector<1x1024xi32>
    %get3A_316 = arith.constant 4 : index
    %get3A_317 = arith.constant 0 : index
    %get3A_318 = arith.constant 0 : index
    %get3A_319 = vector.load %arg4[%get3A_316, %get3A_317, %get3A_318] : memref<10x1x1024xi32, #tpu.memory_space<vmem>>, vector<1x1x1024xi32>
    %get3A_320 = vector.shape_cast %get3A_319 : vector<1x1x1024xi32> to vector<1x1024xi32>
    %eq3A_321 = vector.broadcast %get3A_315 : vector<1x1024xi32> to vector<70x1024xi32>
    %eq3A_322 = arith.cmpi eq, %iota3A, %eq3A_321 : vector<70x1024xi32>
    %add3A_323 = arith.constant 50 : i32
    %add3A_324 = vector.broadcast %add3A_323 : i32 to vector<1x1024xi32>
    %add3A_325 = arith.addi %get3A_320, %add3A_324 : vector<1x1024xi32>
    %eq3A_326 = vector.broadcast %add3A_325 : vector<1x1024xi32> to vector<70x1024xi32>
    %eq3A_327 = arith.cmpi eq, %iota3A, %eq3A_326 : vector<70x1024xi32>
    %or3A_328 = arith.ori %eq3A_322, %eq3A_327 : vector<70x1024xi1>
    %convert_element_type3A_329 = arith.extui %or3A_328 : vector<70x1024xi1> to vector<70x1024xi32>
    %convert_element_type3A_330 = arith.sitofp %convert_element_type3A_329 : vector<70x1024xi32> to vector<70x1024xf32>
    %get3A_331 = arith.constant 0 : index
    %get3A_332 = arith.constant 0 : index
    %get3A_333 = vector.load %arg5[%get3A_331, %get3A_332] : memref<64x70xf32, #tpu.memory_space<vmem>>, vector<64x70xf32>
    %dot_general3A_334 = arith.constant dense<0.000000e+00> : vector<64x1024xf32>
    %dot_general3A_335 = tpu.matmul %get3A_333, %convert_element_type3A_330, %dot_general3A_334 {dimension_numbers = #tpu.dot_dimension_numbers<[1], [0], [0], [1], [0, 0, 1, 1], [], []>, transpose_lhs_hint = false} : vector<64x70xf32>, vector<70x1024xf32>, vector<64x1024xf32> -> vector<64x1024xf32>
    %concatenate3A_336 = tpu.concatenate %transpose3A_310, %dot_general3A_335 in 0 : vector<128x1024xf32>, vector<64x1024xf32> -> vector<192x1024xf32>
    %get3A_337 = arith.constant 4 : index
    %get3A_338 = arith.constant 0 : index
    %get3A_339 = arith.constant 0 : index
    %get3A_340 = vector.load %arg6[%get3A_337, %get3A_338, %get3A_339] : memref<10x192x1xf32, #tpu.memory_space<vmem>>, vector<1x192x1xf32>
    %get3A_341 = vector.shape_cast %get3A_340 : vector<1x192x1xf32> to vector<192x1xf32>
    %add3A_342 = vector.broadcast %get3A_341 : vector<192x1xf32> to vector<192x1024xf32>
    %add3A_343 = arith.addf %concatenate3A_336, %add3A_342 : vector<192x1024xf32>
    %reduce_sum3A_344 = arith.constant dense<0.000000e+00> : vector<1024xf32>
    %reduce_sum3A_345 = vector.multi_reduction <add>, %add3A_343, %reduce_sum3A_344 [0] : vector<192x1024xf32> to vector<1024xf32>
    %broadcast_in_dim3A_346 = vector.shape_cast %reduce_sum3A_345 : vector<1024xf32> to vector<1x1024xf32>
    %div3A_347 = arith.constant 1.920000e+02 : f32
    %div3A_348 = vector.broadcast %div3A_347 : f32 to vector<1x1024xf32>
    %div3A_349 = arith.divf %broadcast_in_dim3A_346, %div3A_348 : vector<1x1024xf32>
    %sub3A_350 = vector.broadcast %div3A_349 : vector<1x1024xf32> to vector<192x1024xf32>
    %sub3A_351 = arith.subf %add3A_343, %sub3A_350 : vector<192x1024xf32>
    %sub3A_352 = vector.broadcast %div3A_349 : vector<1x1024xf32> to vector<192x1024xf32>
    %sub3A_353 = arith.subf %add3A_343, %sub3A_352 : vector<192x1024xf32>
    %mul3A_354 = arith.mulf %sub3A_351, %sub3A_353 : vector<192x1024xf32>
    %reduce_sum3A_355 = arith.constant dense<0.000000e+00> : vector<1024xf32>
    %reduce_sum3A_356 = vector.multi_reduction <add>, %mul3A_354, %reduce_sum3A_355 [0] : vector<192x1024xf32> to vector<1024xf32>
    %broadcast_in_dim3A_357 = vector.shape_cast %reduce_sum3A_356 : vector<1024xf32> to vector<1x1024xf32>
    %div3A_358 = arith.constant 1.920000e+02 : f32
    %div3A_359 = vector.broadcast %div3A_358 : f32 to vector<1x1024xf32>
    %div3A_360 = arith.divf %broadcast_in_dim3A_357, %div3A_359 : vector<1x1024xf32>
    %sub3A_361 = vector.broadcast %div3A_349 : vector<1x1024xf32> to vector<192x1024xf32>
    %sub3A_362 = arith.subf %add3A_343, %sub3A_361 : vector<192x1024xf32>
    %add3A_363 = arith.constant 9.99999974E-6 : f32
    %add3A_364 = vector.broadcast %add3A_363 : f32 to vector<1x1024xf32>
    %add3A_365 = arith.addf %div3A_360, %add3A_364 : vector<1x1024xf32>
    %rsqrt3A_366 = math.rsqrt %add3A_365 : vector<1x1024xf32>
    %mul3A_367 = vector.broadcast %rsqrt3A_366 : vector<1x1024xf32> to vector<192x1024xf32>
    %mul3A_368 = arith.mulf %sub3A_362, %mul3A_367 : vector<192x1024xf32>
    %get3A_369 = arith.constant 0 : index
    %get3A_370 = arith.constant 0 : index
    %get3A_371 = vector.load %arg7[%get3A_369, %get3A_370] : memref<192x1xf32, #tpu.memory_space<vmem>>, vector<192x1xf32>
    %mul3A_372 = vector.broadcast %get3A_371 : vector<192x1xf32> to vector<192x1024xf32>
    %mul3A_373 = arith.mulf %mul3A_368, %mul3A_372 : vector<192x1024xf32>
    %get3A_374 = arith.constant 0 : index
    %get3A_375 = arith.constant 0 : index
    %get3A_376 = vector.load %arg8[%get3A_374, %get3A_375] : memref<192x1xf32, #tpu.memory_space<vmem>>, vector<192x1xf32>
    %add3A_377 = vector.broadcast %get3A_376 : vector<192x1xf32> to vector<192x1024xf32>
    %add3A_378 = arith.addf %mul3A_373, %add3A_377 : vector<192x1024xf32>
    %swap3A_379 = arith.constant 4 : index
    %swap3A_380 = arith.constant 0 : index
    %swap3A_381 = arith.constant 0 : index
    %swap3A_382 = vector.load %arg9[%swap3A_379, %swap3A_380, %swap3A_381] : memref<10x192x1024xf32, #tpu.memory_space<vmem>>, vector<1x192x1024xf32>
    %swap3A_383 = vector.shape_cast %swap3A_382 : vector<1x192x1024xf32> to vector<192x1024xf32>
    %swap3A_384 = vector.shape_cast %add3A_378 : vector<192x1024xf32> to vector<1x192x1024xf32>
    tpu.vector_store %arg9[%swap3A_379, %swap3A_380, %swap3A_381], %swap3A_384 {strides = array<i32>} : memref<10x192x1024xf32, #tpu.memory_space<vmem>>, vector<1x192x1024xf32>,
    %get3A_385 = arith.constant 5 : index
    %get3A_386 = arith.constant 0 : index
    %get3A_387 = arith.constant 0 : index
    %get3A_388 = vector.load %arg2[%get3A_385, %get3A_386, %get3A_387] : memref<10x1024x128xf32, #tpu.memory_space<vmem>>, vector<1x1024x128xf32>
    %get3A_389 = vector.shape_cast %get3A_388 : vector<1x1024x128xf32> to vector<1024x128xf32>
    %transpose3A_390 = tpu.transpose %get3A_389, [1, 0] : vector<1024x128xf32> -> vector<128x1024xf32>
    %get3A_391 = arith.constant 5 : index
    %get3A_392 = arith.constant 0 : index
    %get3A_393 = arith.constant 0 : index
    %get3A_394 = vector.load %arg3[%get3A_391, %get3A_392, %get3A_393] : memref<10x1x1024xi32, #tpu.memory_space<vmem>>, vector<1x1x1024xi32>
    %get3A_395 = vector.shape_cast %get3A_394 : vector<1x1x1024xi32> to vector<1x1024xi32>
    %get3A_396 = arith.constant 5 : index
    %get3A_397 = arith.constant 0 : index
    %get3A_398 = arith.constant 0 : index
    %get3A_399 = vector.load %arg4[%get3A_396, %get3A_397, %get3A_398] : memref<10x1x1024xi32, #tpu.memory_space<vmem>>, vector<1x1x1024xi32>
    %get3A_400 = vector.shape_cast %get3A_399 : vector<1x1x1024xi32> to vector<1x1024xi32>
    %eq3A_401 = vector.broadcast %get3A_395 : vector<1x1024xi32> to vector<70x1024xi32>
    %eq3A_402 = arith.cmpi eq, %iota3A, %eq3A_401 : vector<70x1024xi32>
    %add3A_403 = arith.constant 50 : i32
    %add3A_404 = vector.broadcast %add3A_403 : i32 to vector<1x1024xi32>
    %add3A_405 = arith.addi %get3A_400, %add3A_404 : vector<1x1024xi32>
    %eq3A_406 = vector.broadcast %add3A_405 : vector<1x1024xi32> to vector<70x1024xi32>
    %eq3A_407 = arith.cmpi eq, %iota3A, %eq3A_406 : vector<70x1024xi32>
    %or3A_408 = arith.ori %eq3A_402, %eq3A_407 : vector<70x1024xi1>
    %convert_element_type3A_409 = arith.extui %or3A_408 : vector<70x1024xi1> to vector<70x1024xi32>
    %convert_element_type3A_410 = arith.sitofp %convert_element_type3A_409 : vector<70x1024xi32> to vector<70x1024xf32>
    %get3A_411 = arith.constant 0 : index
    %get3A_412 = arith.constant 0 : index
    %get3A_413 = vector.load %arg5[%get3A_411, %get3A_412] : memref<64x70xf32, #tpu.memory_space<vmem>>, vector<64x70xf32>
    %dot_general3A_414 = arith.constant dense<0.000000e+00> : vector<64x1024xf32>
    %dot_general3A_415 = tpu.matmul %get3A_413, %convert_element_type3A_410, %dot_general3A_414 {dimension_numbers = #tpu.dot_dimension_numbers<[1], [0], [0], [1], [0, 0, 1, 1], [], []>, transpose_lhs_hint = false} : vector<64x70xf32>, vector<70x1024xf32>, vector<64x1024xf32> -> vector<64x1024xf32>
    %concatenate3A_416 = tpu.concatenate %transpose3A_390, %dot_general3A_415 in 0 : vector<128x1024xf32>, vector<64x1024xf32> -> vector<192x1024xf32>
    %get3A_417 = arith.constant 5 : index
    %get3A_418 = arith.constant 0 : index
    %get3A_419 = arith.constant 0 : index
    %get3A_420 = vector.load %arg6[%get3A_417, %get3A_418, %get3A_419] : memref<10x192x1xf32, #tpu.memory_space<vmem>>, vector<1x192x1xf32>
    %get3A_421 = vector.shape_cast %get3A_420 : vector<1x192x1xf32> to vector<192x1xf32>
    %add3A_422 = vector.broadcast %get3A_421 : vector<192x1xf32> to vector<192x1024xf32>
    %add3A_423 = arith.addf %concatenate3A_416, %add3A_422 : vector<192x1024xf32>
    %reduce_sum3A_424 = arith.constant dense<0.000000e+00> : vector<1024xf32>
    %reduce_sum3A_425 = vector.multi_reduction <add>, %add3A_423, %reduce_sum3A_424 [0] : vector<192x1024xf32> to vector<1024xf32>
    %broadcast_in_dim3A_426 = vector.shape_cast %reduce_sum3A_425 : vector<1024xf32> to vector<1x1024xf32>
    %div3A_427 = arith.constant 1.920000e+02 : f32
    %div3A_428 = vector.broadcast %div3A_427 : f32 to vector<1x1024xf32>
    %div3A_429 = arith.divf %broadcast_in_dim3A_426, %div3A_428 : vector<1x1024xf32>
    %sub3A_430 = vector.broadcast %div3A_429 : vector<1x1024xf32> to vector<192x1024xf32>
    %sub3A_431 = arith.subf %add3A_423, %sub3A_430 : vector<192x1024xf32>
    %sub3A_432 = vector.broadcast %div3A_429 : vector<1x1024xf32> to vector<192x1024xf32>
    %sub3A_433 = arith.subf %add3A_423, %sub3A_432 : vector<192x1024xf32>
    %mul3A_434 = arith.mulf %sub3A_431, %sub3A_433 : vector<192x1024xf32>
    %reduce_sum3A_435 = arith.constant dense<0.000000e+00> : vector<1024xf32>
    %reduce_sum3A_436 = vector.multi_reduction <add>, %mul3A_434, %reduce_sum3A_435 [0] : vector<192x1024xf32> to vector<1024xf32>
    %broadcast_in_dim3A_437 = vector.shape_cast %reduce_sum3A_436 : vector<1024xf32> to vector<1x1024xf32>
    %div3A_438 = arith.constant 1.920000e+02 : f32
    %div3A_439 = vector.broadcast %div3A_438 : f32 to vector<1x1024xf32>
    %div3A_440 = arith.divf %broadcast_in_dim3A_437, %div3A_439 : vector<1x1024xf32>
    %sub3A_441 = vector.broadcast %div3A_429 : vector<1x1024xf32> to vector<192x1024xf32>
    %sub3A_442 = arith.subf %add3A_423, %sub3A_441 : vector<192x1024xf32>
    %add3A_443 = arith.constant 9.99999974E-6 : f32
    %add3A_444 = vector.broadcast %add3A_443 : f32 to vector<1x1024xf32>
    %add3A_445 = arith.addf %div3A_440, %add3A_444 : vector<1x1024xf32>
    %rsqrt3A_446 = math.rsqrt %add3A_445 : vector<1x1024xf32>
    %mul3A_447 = vector.broadcast %rsqrt3A_446 : vector<1x1024xf32> to vector<192x1024xf32>
    %mul3A_448 = arith.mulf %sub3A_442, %mul3A_447 : vector<192x1024xf32>
    %get3A_449 = arith.constant 0 : index
    %get3A_450 = arith.constant 0 : index
    %get3A_451 = vector.load %arg7[%get3A_449, %get3A_450] : memref<192x1xf32, #tpu.memory_space<vmem>>, vector<192x1xf32>
    %mul3A_452 = vector.broadcast %get3A_451 : vector<192x1xf32> to vector<192x1024xf32>
    %mul3A_453 = arith.mulf %mul3A_448, %mul3A_452 : vector<192x1024xf32>
    %get3A_454 = arith.constant 0 : index
    %get3A_455 = arith.constant 0 : index
    %get3A_456 = vector.load %arg8[%get3A_454, %get3A_455] : memref<192x1xf32, #tpu.memory_space<vmem>>, vector<192x1xf32>
    %add3A_457 = vector.broadcast %get3A_456 : vector<192x1xf32> to vector<192x1024xf32>
    %add3A_458 = arith.addf %mul3A_453, %add3A_457 : vector<192x1024xf32>
    %swap3A_459 = arith.constant 5 : index
    %swap3A_460 = arith.constant 0 : index
    %swap3A_461 = arith.constant 0 : index
    %swap3A_462 = vector.load %arg9[%swap3A_459, %swap3A_460, %swap3A_461] : memref<10x192x1024xf32, #tpu.memory_space<vmem>>, vector<1x192x1024xf32>
    %swap3A_463 = vector.shape_cast %swap3A_462 : vector<1x192x1024xf32> to vector<192x1024xf32>
    %swap3A_464 = vector.shape_cast %add3A_458 : vector<192x1024xf32> to vector<1x192x1024xf32>
    tpu.vector_store %arg9[%swap3A_459, %swap3A_460, %swap3A_461], %swap3A_464 {strides = array<i32>} : memref<10x192x1024xf32, #tpu.memory_space<vmem>>, vector<1x192x1024xf32>,
    %get3A_465 = arith.constant 6 : index
    %get3A_466 = arith.constant 0 : index
    %get3A_467 = arith.constant 0 : index
    %get3A_468 = vector.load %arg2[%get3A_465, %get3A_466, %get3A_467] : memref<10x1024x128xf32, #tpu.memory_space<vmem>>, vector<1x1024x128xf32>
    %get3A_469 = vector.shape_cast %get3A_468 : vector<1x1024x128xf32> to vector<1024x128xf32>
    %transpose3A_470 = tpu.transpose %get3A_469, [1, 0] : vector<1024x128xf32> -> vector<128x1024xf32>
    %get3A_471 = arith.constant 6 : index
    %get3A_472 = arith.constant 0 : index
    %get3A_473 = arith.constant 0 : index
    %get3A_474 = vector.load %arg3[%get3A_471, %get3A_472, %get3A_473] : memref<10x1x1024xi32, #tpu.memory_space<vmem>>, vector<1x1x1024xi32>
    %get3A_475 = vector.shape_cast %get3A_474 : vector<1x1x1024xi32> to vector<1x1024xi32>
    %get3A_476 = arith.constant 6 : index
    %get3A_477 = arith.constant 0 : index
    %get3A_478 = arith.constant 0 : index
    %get3A_479 = vector.load %arg4[%get3A_476, %get3A_477, %get3A_478] : memref<10x1x1024xi32, #tpu.memory_space<vmem>>, vector<1x1x1024xi32>
    %get3A_480 = vector.shape_cast %get3A_479 : vector<1x1x1024xi32> to vector<1x1024xi32>
    %eq3A_481 = vector.broadcast %get3A_475 : vector<1x1024xi32> to vector<70x1024xi32>
    %eq3A_482 = arith.cmpi eq, %iota3A, %eq3A_481 : vector<70x1024xi32>
    %add3A_483 = arith.constant 50 : i32
    %add3A_484 = vector.broadcast %add3A_483 : i32 to vector<1x1024xi32>
    %add3A_485 = arith.addi %get3A_480, %add3A_484 : vector<1x1024xi32>
    %eq3A_486 = vector.broadcast %add3A_485 : vector<1x1024xi32> to vector<70x1024xi32>
    %eq3A_487 = arith.cmpi eq, %iota3A, %eq3A_486 : vector<70x1024xi32>
    %or3A_488 = arith.ori %eq3A_482, %eq3A_487 : vector<70x1024xi1>
    %convert_element_type3A_489 = arith.extui %or3A_488 : vector<70x1024xi1> to vector<70x1024xi32>
    %convert_element_type3A_490 = arith.sitofp %convert_element_type3A_489 : vector<70x1024xi32> to vector<70x1024xf32>
    %get3A_491 = arith.constant 0 : index
    %get3A_492 = arith.constant 0 : index
    %get3A_493 = vector.load %arg5[%get3A_491, %get3A_492] : memref<64x70xf32, #tpu.memory_space<vmem>>, vector<64x70xf32>
    %dot_general3A_494 = arith.constant dense<0.000000e+00> : vector<64x1024xf32>
    %dot_general3A_495 = tpu.matmul %get3A_493, %convert_element_type3A_490, %dot_general3A_494 {dimension_numbers = #tpu.dot_dimension_numbers<[1], [0], [0], [1], [0, 0, 1, 1], [], []>, transpose_lhs_hint = false} : vector<64x70xf32>, vector<70x1024xf32>, vector<64x1024xf32> -> vector<64x1024xf32>
    %concatenate3A_496 = tpu.concatenate %transpose3A_470, %dot_general3A_495 in 0 : vector<128x1024xf32>, vector<64x1024xf32> -> vector<192x1024xf32>
    %get3A_497 = arith.constant 6 : index
    %get3A_498 = arith.constant 0 : index
    %get3A_499 = arith.constant 0 : index
    %get3A_500 = vector.load %arg6[%get3A_497, %get3A_498, %get3A_499] : memref<10x192x1xf32, #tpu.memory_space<vmem>>, vector<1x192x1xf32>
    %get3A_501 = vector.shape_cast %get3A_500 : vector<1x192x1xf32> to vector<192x1xf32>
    %add3A_502 = vector.broadcast %get3A_501 : vector<192x1xf32> to vector<192x1024xf32>
    %add3A_503 = arith.addf %concatenate3A_496, %add3A_502 : vector<192x1024xf32>
    %reduce_sum3A_504 = arith.constant dense<0.000000e+00> : vector<1024xf32>
    %reduce_sum3A_505 = vector.multi_reduction <add>, %add3A_503, %reduce_sum3A_504 [0] : vector<192x1024xf32> to vector<1024xf32>
    %broadcast_in_dim3A_506 = vector.shape_cast %reduce_sum3A_505 : vector<1024xf32> to vector<1x1024xf32>
    %div3A_507 = arith.constant 1.920000e+02 : f32
    %div3A_508 = vector.broadcast %div3A_507 : f32 to vector<1x1024xf32>
    %div3A_509 = arith.divf %broadcast_in_dim3A_506, %div3A_508 : vector<1x1024xf32>
    %sub3A_510 = vector.broadcast %div3A_509 : vector<1x1024xf32> to vector<192x1024xf32>
    %sub3A_511 = arith.subf %add3A_503, %sub3A_510 : vector<192x1024xf32>
    %sub3A_512 = vector.broadcast %div3A_509 : vector<1x1024xf32> to vector<192x1024xf32>
    %sub3A_513 = arith.subf %add3A_503, %sub3A_512 : vector<192x1024xf32>
    %mul3A_514 = arith.mulf %sub3A_511, %sub3A_513 : vector<192x1024xf32>
    %reduce_sum3A_515 = arith.constant dense<0.000000e+00> : vector<1024xf32>
    %reduce_sum3A_516 = vector.multi_reduction <add>, %mul3A_514, %reduce_sum3A_515 [0] : vector<192x1024xf32> to vector<1024xf32>
    %broadcast_in_dim3A_517 = vector.shape_cast %reduce_sum3A_516 : vector<1024xf32> to vector<1x1024xf32>
    %div3A_518 = arith.constant 1.920000e+02 : f32
    %div3A_519 = vector.broadcast %div3A_518 : f32 to vector<1x1024xf32>
    %div3A_520 = arith.divf %broadcast_in_dim3A_517, %div3A_519 : vector<1x1024xf32>
    %sub3A_521 = vector.broadcast %div3A_509 : vector<1x1024xf32> to vector<192x1024xf32>
    %sub3A_522 = arith.subf %add3A_503, %sub3A_521 : vector<192x1024xf32>
    %add3A_523 = arith.constant 9.99999974E-6 : f32
    %add3A_524 = vector.broadcast %add3A_523 : f32 to vector<1x1024xf32>
    %add3A_525 = arith.addf %div3A_520, %add3A_524 : vector<1x1024xf32>
    %rsqrt3A_526 = math.rsqrt %add3A_525 : vector<1x1024xf32>
    %mul3A_527 = vector.broadcast %rsqrt3A_526 : vector<1x1024xf32> to vector<192x1024xf32>
    %mul3A_528 = arith.mulf %sub3A_522, %mul3A_527 : vector<192x1024xf32>
    %get3A_529 = arith.constant 0 : index
    %get3A_530 = arith.constant 0 : index
    %get3A_531 = vector.load %arg7[%get3A_529, %get3A_530] : memref<192x1xf32, #tpu.memory_space<vmem>>, vector<192x1xf32>
    %mul3A_532 = vector.broadcast %get3A_531 : vector<192x1xf32> to vector<192x1024xf32>
    %mul3A_533 = arith.mulf %mul3A_528, %mul3A_532 : vector<192x1024xf32>
    %get3A_534 = arith.constant 0 : index
    %get3A_535 = arith.constant 0 : index
    %get3A_536 = vector.load %arg8[%get3A_534, %get3A_535] : memref<192x1xf32, #tpu.memory_space<vmem>>, vector<192x1xf32>
    %add3A_537 = vector.broadcast %get3A_536 : vector<192x1xf32> to vector<192x1024xf32>
    %add3A_538 = arith.addf %mul3A_533, %add3A_537 : vector<192x1024xf32>
    %swap3A_539 = arith.constant 6 : index
    %swap3A_540 = arith.constant 0 : index
    %swap3A_541 = arith.constant 0 : index
    %swap3A_542 = vector.load %arg9[%swap3A_539, %swap3A_540, %swap3A_541] : memref<10x192x1024xf32, #tpu.memory_space<vmem>>, vector<1x192x1024xf32>
    %swap3A_543 = vector.shape_cast %swap3A_542 : vector<1x192x1024xf32> to vector<192x1024xf32>
    %swap3A_544 = vector.shape_cast %add3A_538 : vector<192x1024xf32> to vector<1x192x1024xf32>
    tpu.vector_store %arg9[%swap3A_539, %swap3A_540, %swap3A_541], %swap3A_544 {strides = array<i32>} : memref<10x192x1024xf32, #tpu.memory_space<vmem>>, vector<1x192x1024xf32>,
    %get3A_545 = arith.constant 7 : index
    %get3A_546 = arith.constant 0 : index
    %get3A_547 = arith.constant 0 : index
    %get3A_548 = vector.load %arg2[%get3A_545, %get3A_546, %get3A_547] : memref<10x1024x128xf32, #tpu.memory_space<vmem>>, vector<1x1024x128xf32>
    %get3A_549 = vector.shape_cast %get3A_548 : vector<1x1024x128xf32> to vector<1024x128xf32>
    %transpose3A_550 = tpu.transpose %get3A_549, [1, 0] : vector<1024x128xf32> -> vector<128x1024xf32>
    %get3A_551 = arith.constant 7 : index
    %get3A_552 = arith.constant 0 : index
    %get3A_553 = arith.constant 0 : index
    %get3A_554 = vector.load %arg3[%get3A_551, %get3A_552, %get3A_553] : memref<10x1x1024xi32, #tpu.memory_space<vmem>>, vector<1x1x1024xi32>
    %get3A_555 = vector.shape_cast %get3A_554 : vector<1x1x1024xi32> to vector<1x1024xi32>
    %get3A_556 = arith.constant 7 : index
    %get3A_557 = arith.constant 0 : index
    %get3A_558 = arith.constant 0 : index
    %get3A_559 = vector.load %arg4[%get3A_556, %get3A_557, %get3A_558] : memref<10x1x1024xi32, #tpu.memory_space<vmem>>, vector<1x1x1024xi32>
    %get3A_560 = vector.shape_cast %get3A_559 : vector<1x1x1024xi32> to vector<1x1024xi32>
    %eq3A_561 = vector.broadcast %get3A_555 : vector<1x1024xi32> to vector<70x1024xi32>
    %eq3A_562 = arith.cmpi eq, %iota3A, %eq3A_561 : vector<70x1024xi32>
    %add3A_563 = arith.constant 50 : i32
    %add3A_564 = vector.broadcast %add3A_563 : i32 to vector<1x1024xi32>
    %add3A_565 = arith.addi %get3A_560, %add3A_564 : vector<1x1024xi32>
    %eq3A_566 = vector.broadcast %add3A_565 : vector<1x1024xi32> to vector<70x1024xi32>
    %eq3A_567 = arith.cmpi eq, %iota3A, %eq3A_566 : vector<70x1024xi32>
    %or3A_568 = arith.ori %eq3A_562, %eq3A_567 : vector<70x1024xi1>
    %convert_element_type3A_569 = arith.extui %or3A_568 : vector<70x1024xi1> to vector<70x1024xi32>
    %convert_element_type3A_570 = arith.sitofp %convert_element_type3A_569 : vector<70x1024xi32> to vector<70x1024xf32>
    %get3A_571 = arith.constant 0 : index
    %get3A_572 = arith.constant 0 : index
    %get3A_573 = vector.load %arg5[%get3A_571, %get3A_572] : memref<64x70xf32, #tpu.memory_space<vmem>>, vector<64x70xf32>
    %dot_general3A_574 = arith.constant dense<0.000000e+00> : vector<64x1024xf32>
    %dot_general3A_575 = tpu.matmul %get3A_573, %convert_element_type3A_570, %dot_general3A_574 {dimension_numbers = #tpu.dot_dimension_numbers<[1], [0], [0], [1], [0, 0, 1, 1], [], []>, transpose_lhs_hint = false} : vector<64x70xf32>, vector<70x1024xf32>, vector<64x1024xf32> -> vector<64x1024xf32>
    %concatenate3A_576 = tpu.concatenate %transpose3A_550, %dot_general3A_575 in 0 : vector<128x1024xf32>, vector<64x1024xf32> -> vector<192x1024xf32>
    %get3A_577 = arith.constant 7 : index
    %get3A_578 = arith.constant 0 : index
    %get3A_579 = arith.constant 0 : index
    %get3A_580 = vector.load %arg6[%get3A_577, %get3A_578, %get3A_579] : memref<10x192x1xf32, #tpu.memory_space<vmem>>, vector<1x192x1xf32>
    %get3A_581 = vector.shape_cast %get3A_580 : vector<1x192x1xf32> to vector<192x1xf32>
    %add3A_582 = vector.broadcast %get3A_581 : vector<192x1xf32> to vector<192x1024xf32>
    %add3A_583 = arith.addf %concatenate3A_576, %add3A_582 : vector<192x1024xf32>
    %reduce_sum3A_584 = arith.constant dense<0.000000e+00> : vector<1024xf32>
    %reduce_sum3A_585 = vector.multi_reduction <add>, %add3A_583, %reduce_sum3A_584 [0] : vector<192x1024xf32> to vector<1024xf32>
    %broadcast_in_dim3A_586 = vector.shape_cast %reduce_sum3A_585 : vector<1024xf32> to vector<1x1024xf32>
    %div3A_587 = arith.constant 1.920000e+02 : f32
    %div3A_588 = vector.broadcast %div3A_587 : f32 to vector<1x1024xf32>
    %div3A_589 = arith.divf %broadcast_in_dim3A_586, %div3A_588 : vector<1x1024xf32>
    %sub3A_590 = vector.broadcast %div3A_589 : vector<1x1024xf32> to vector<192x1024xf32>
    %sub3A_591 = arith.subf %add3A_583, %sub3A_590 : vector<192x1024xf32>
    %sub3A_592 = vector.broadcast %div3A_589 : vector<1x1024xf32> to vector<192x1024xf32>
    %sub3A_593 = arith.subf %add3A_583, %sub3A_592 : vector<192x1024xf32>
    %mul3A_594 = arith.mulf %sub3A_591, %sub3A_593 : vector<192x1024xf32>
    %reduce_sum3A_595 = arith.constant dense<0.000000e+00> : vector<1024xf32>
    %reduce_sum3A_596 = vector.multi_reduction <add>, %mul3A_594, %reduce_sum3A_595 [0] : vector<192x1024xf32> to vector<1024xf32>
    %broadcast_in_dim3A_597 = vector.shape_cast %reduce_sum3A_596 : vector<1024xf32> to vector<1x1024xf32>
    %div3A_598 = arith.constant 1.920000e+02 : f32
    %div3A_599 = vector.broadcast %div3A_598 : f32 to vector<1x1024xf32>
    %div3A_600 = arith.divf %broadcast_in_dim3A_597, %div3A_599 : vector<1x1024xf32>
    %sub3A_601 = vector.broadcast %div3A_589 : vector<1x1024xf32> to vector<192x1024xf32>
    %sub3A_602 = arith.subf %add3A_583, %sub3A_601 : vector<192x1024xf32>
    %add3A_603 = arith.constant 9.99999974E-6 : f32
    %add3A_604 = vector.broadcast %add3A_603 : f32 to vector<1x1024xf32>
    %add3A_605 = arith.addf %div3A_600, %add3A_604 : vector<1x1024xf32>
    %rsqrt3A_606 = math.rsqrt %add3A_605 : vector<1x1024xf32>
    %mul3A_607 = vector.broadcast %rsqrt3A_606 : vector<1x1024xf32> to vector<192x1024xf32>
    %mul3A_608 = arith.mulf %sub3A_602, %mul3A_607 : vector<192x1024xf32>
    %get3A_609 = arith.constant 0 : index
    %get3A_610 = arith.constant 0 : index
    %get3A_611 = vector.load %arg7[%get3A_609, %get3A_610] : memref<192x1xf32, #tpu.memory_space<vmem>>, vector<192x1xf32>
    %mul3A_612 = vector.broadcast %get3A_611 : vector<192x1xf32> to vector<192x1024xf32>
    %mul3A_613 = arith.mulf %mul3A_608, %mul3A_612 : vector<192x1024xf32>
    %get3A_614 = arith.constant 0 : index
    %get3A_615 = arith.constant 0 : index
    %get3A_616 = vector.load %arg8[%get3A_614, %get3A_615] : memref<192x1xf32, #tpu.memory_space<vmem>>, vector<192x1xf32>
    %add3A_617 = vector.broadcast %get3A_616 : vector<192x1xf32> to vector<192x1024xf32>
    %add3A_618 = arith.addf %mul3A_613, %add3A_617 : vector<192x1024xf32>
    %swap3A_619 = arith.constant 7 : index
    %swap3A_620 = arith.constant 0 : index
    %swap3A_621 = arith.constant 0 : index
    %swap3A_622 = vector.load %arg9[%swap3A_619, %swap3A_620, %swap3A_621] : memref<10x192x1024xf32, #tpu.memory_space<vmem>>, vector<1x192x1024xf32>
    %swap3A_623 = vector.shape_cast %swap3A_622 : vector<1x192x1024xf32> to vector<192x1024xf32>
    %swap3A_624 = vector.shape_cast %add3A_618 : vector<192x1024xf32> to vector<1x192x1024xf32>
    tpu.vector_store %arg9[%swap3A_619, %swap3A_620, %swap3A_621], %swap3A_624 {strides = array<i32>} : memref<10x192x1024xf32, #tpu.memory_space<vmem>>, vector<1x192x1024xf32>,
    %get3A_625 = arith.constant 8 : index
    %get3A_626 = arith.constant 0 : index
    %get3A_627 = arith.constant 0 : index
    %get3A_628 = vector.load %arg2[%get3A_625, %get3A_626, %get3A_627] : memref<10x1024x128xf32, #tpu.memory_space<vmem>>, vector<1x1024x128xf32>
    %get3A_629 = vector.shape_cast %get3A_628 : vector<1x1024x128xf32> to vector<1024x128xf32>
    %transpose3A_630 = tpu.transpose %get3A_629, [1, 0] : vector<1024x128xf32> -> vector<128x1024xf32>
    %get3A_631 = arith.constant 8 : index
    %get3A_632 = arith.constant 0 : index
    %get3A_633 = arith.constant 0 : index
    %get3A_634 = vector.load %arg3[%get3A_631, %get3A_632, %get3A_633] : memref<10x1x1024xi32, #tpu.memory_space<vmem>>, vector<1x1x1024xi32>
    %get3A_635 = vector.shape_cast %get3A_634 : vector<1x1x1024xi32> to vector<1x1024xi32>
    %get3A_636 = arith.constant 8 : index
    %get3A_637 = arith.constant 0 : index
    %get3A_638 = arith.constant 0 : index
    %get3A_639 = vector.load %arg4[%get3A_636, %get3A_637, %get3A_638] : memref<10x1x1024xi32, #tpu.memory_space<vmem>>, vector<1x1x1024xi32>
    %get3A_640 = vector.shape_cast %get3A_639 : vector<1x1x1024xi32> to vector<1x1024xi32>
    %eq3A_641 = vector.broadcast %get3A_635 : vector<1x1024xi32> to vector<70x1024xi32>
    %eq3A_642 = arith.cmpi eq, %iota3A, %eq3A_641 : vector<70x1024xi32>
    %add3A_643 = arith.constant 50 : i32
    %add3A_644 = vector.broadcast %add3A_643 : i32 to vector<1x1024xi32>
    %add3A_645 = arith.addi %get3A_640, %add3A_644 : vector<1x1024xi32>
    %eq3A_646 = vector.broadcast %add3A_645 : vector<1x1024xi32> to vector<70x1024xi32>
    %eq3A_647 = arith.cmpi eq, %iota3A, %eq3A_646 : vector<70x1024xi32>
    %or3A_648 = arith.ori %eq3A_642, %eq3A_647 : vector<70x1024xi1>
    %convert_element_type3A_649 = arith.extui %or3A_648 : vector<70x1024xi1> to vector<70x1024xi32>
    %convert_element_type3A_650 = arith.sitofp %convert_element_type3A_649 : vector<70x1024xi32> to vector<70x1024xf32>
    %get3A_651 = arith.constant 0 : index
    %get3A_652 = arith.constant 0 : index
    %get3A_653 = vector.load %arg5[%get3A_651, %get3A_652] : memref<64x70xf32, #tpu.memory_space<vmem>>, vector<64x70xf32>
    %dot_general3A_654 = arith.constant dense<0.000000e+00> : vector<64x1024xf32>
    %dot_general3A_655 = tpu.matmul %get3A_653, %convert_element_type3A_650, %dot_general3A_654 {dimension_numbers = #tpu.dot_dimension_numbers<[1], [0], [0], [1], [0, 0, 1, 1], [], []>, transpose_lhs_hint = false} : vector<64x70xf32>, vector<70x1024xf32>, vector<64x1024xf32> -> vector<64x1024xf32>
    %concatenate3A_656 = tpu.concatenate %transpose3A_630, %dot_general3A_655 in 0 : vector<128x1024xf32>, vector<64x1024xf32> -> vector<192x1024xf32>
    %get3A_657 = arith.constant 8 : index
    %get3A_658 = arith.constant 0 : index
    %get3A_659 = arith.constant 0 : index
    %get3A_660 = vector.load %arg6[%get3A_657, %get3A_658, %get3A_659] : memref<10x192x1xf32, #tpu.memory_space<vmem>>, vector<1x192x1xf32>
    %get3A_661 = vector.shape_cast %get3A_660 : vector<1x192x1xf32> to vector<192x1xf32>
    %add3A_662 = vector.broadcast %get3A_661 : vector<192x1xf32> to vector<192x1024xf32>
    %add3A_663 = arith.addf %concatenate3A_656, %add3A_662 : vector<192x1024xf32>
    %reduce_sum3A_664 = arith.constant dense<0.000000e+00> : vector<1024xf32>
    %reduce_sum3A_665 = vector.multi_reduction <add>, %add3A_663, %reduce_sum3A_664 [0] : vector<192x1024xf32> to vector<1024xf32>
    %broadcast_in_dim3A_666 = vector.shape_cast %reduce_sum3A_665 : vector<1024xf32> to vector<1x1024xf32>
    %div3A_667 = arith.constant 1.920000e+02 : f32
    %div3A_668 = vector.broadcast %div3A_667 : f32 to vector<1x1024xf32>
    %div3A_669 = arith.divf %broadcast_in_dim3A_666, %div3A_668 : vector<1x1024xf32>
    %sub3A_670 = vector.broadcast %div3A_669 : vector<1x1024xf32> to vector<192x1024xf32>
    %sub3A_671 = arith.subf %add3A_663, %sub3A_670 : vector<192x1024xf32>
    %sub3A_672 = vector.broadcast %div3A_669 : vector<1x1024xf32> to vector<192x1024xf32>
    %sub3A_673 = arith.subf %add3A_663, %sub3A_672 : vector<192x1024xf32>
    %mul3A_674 = arith.mulf %sub3A_671, %sub3A_673 : vector<192x1024xf32>
    %reduce_sum3A_675 = arith.constant dense<0.000000e+00> : vector<1024xf32>
    %reduce_sum3A_676 = vector.multi_reduction <add>, %mul3A_674, %reduce_sum3A_675 [0] : vector<192x1024xf32> to vector<1024xf32>
    %broadcast_in_dim3A_677 = vector.shape_cast %reduce_sum3A_676 : vector<1024xf32> to vector<1x1024xf32>
    %div3A_678 = arith.constant 1.920000e+02 : f32
    %div3A_679 = vector.broadcast %div3A_678 : f32 to vector<1x1024xf32>
    %div3A_680 = arith.divf %broadcast_in_dim3A_677, %div3A_679 : vector<1x1024xf32>
    %sub3A_681 = vector.broadcast %div3A_669 : vector<1x1024xf32> to vector<192x1024xf32>
    %sub3A_682 = arith.subf %add3A_663, %sub3A_681 : vector<192x1024xf32>
    %add3A_683 = arith.constant 9.99999974E-6 : f32
    %add3A_684 = vector.broadcast %add3A_683 : f32 to vector<1x1024xf32>
    %add3A_685 = arith.addf %div3A_680, %add3A_684 : vector<1x1024xf32>
    %rsqrt3A_686 = math.rsqrt %add3A_685 : vector<1x1024xf32>
    %mul3A_687 = vector.broadcast %rsqrt3A_686 : vector<1x1024xf32> to vector<192x1024xf32>
    %mul3A_688 = arith.mulf %sub3A_682, %mul3A_687 : vector<192x1024xf32>
    %get3A_689 = arith.constant 0 : index
    %get3A_690 = arith.constant 0 : index
    %get3A_691 = vector.load %arg7[%get3A_689, %get3A_690] : memref<192x1xf32, #tpu.memory_space<vmem>>, vector<192x1xf32>
    %mul3A_692 = vector.broadcast %get3A_691 : vector<192x1xf32> to vector<192x1024xf32>
    %mul3A_693 = arith.mulf %mul3A_688, %mul3A_692 : vector<192x1024xf32>
    %get3A_694 = arith.constant 0 : index
    %get3A_695 = arith.constant 0 : index
    %get3A_696 = vector.load %arg8[%get3A_694, %get3A_695] : memref<192x1xf32, #tpu.memory_space<vmem>>, vector<192x1xf32>
    %add3A_697 = vector.broadcast %get3A_696 : vector<192x1xf32> to vector<192x1024xf32>
    %add3A_698 = arith.addf %mul3A_693, %add3A_697 : vector<192x1024xf32>
    %swap3A_699 = arith.constant 8 : index
    %swap3A_700 = arith.constant 0 : index
    %swap3A_701 = arith.constant 0 : index
    %swap3A_702 = vector.load %arg9[%swap3A_699, %swap3A_700, %swap3A_701] : memref<10x192x1024xf32, #tpu.memory_space<vmem>>, vector<1x192x1024xf32>
    %swap3A_703 = vector.shape_cast %swap3A_702 : vector<1x192x1024xf32> to vector<192x1024xf32>
    %swap3A_704 = vector.shape_cast %add3A_698 : vector<192x1024xf32> to vector<1x192x1024xf32>
    tpu.vector_store %arg9[%swap3A_699, %swap3A_700, %swap3A_701], %swap3A_704 {strides = array<i32>} : memref<10x192x1024xf32, #tpu.memory_space<vmem>>, vector<1x192x1024xf32>,
    %get3A_705 = arith.constant 9 : index
    %get3A_706 = arith.constant 0 : index
    %get3A_707 = arith.constant 0 : index
    %get3A_708 = vector.load %arg2[%get3A_705, %get3A_706, %get3A_707] : memref<10x1024x128xf32, #tpu.memory_space<vmem>>, vector<1x1024x128xf32>
    %get3A_709 = vector.shape_cast %get3A_708 : vector<1x1024x128xf32> to vector<1024x128xf32>
    %transpose3A_710 = tpu.transpose %get3A_709, [1, 0] : vector<1024x128xf32> -> vector<128x1024xf32>
    %get3A_711 = arith.constant 9 : index
    %get3A_712 = arith.constant 0 : index
    %get3A_713 = arith.constant 0 : index
    %get3A_714 = vector.load %arg3[%get3A_711, %get3A_712, %get3A_713] : memref<10x1x1024xi32, #tpu.memory_space<vmem>>, vector<1x1x1024xi32>
    %get3A_715 = vector.shape_cast %get3A_714 : vector<1x1x1024xi32> to vector<1x1024xi32>
    %get3A_716 = arith.constant 9 : index
    %get3A_717 = arith.constant 0 : index
    %get3A_718 = arith.constant 0 : index
    %get3A_719 = vector.load %arg4[%get3A_716, %get3A_717, %get3A_718] : memref<10x1x1024xi32, #tpu.memory_space<vmem>>, vector<1x1x1024xi32>
    %get3A_720 = vector.shape_cast %get3A_719 : vector<1x1x1024xi32> to vector<1x1024xi32>
    %eq3A_721 = vector.broadcast %get3A_715 : vector<1x1024xi32> to vector<70x1024xi32>
    %eq3A_722 = arith.cmpi eq, %iota3A, %eq3A_721 : vector<70x1024xi32>
    %add3A_723 = arith.constant 50 : i32
    %add3A_724 = vector.broadcast %add3A_723 : i32 to vector<1x1024xi32>
    %add3A_725 = arith.addi %get3A_720, %add3A_724 : vector<1x1024xi32>
    %eq3A_726 = vector.broadcast %add3A_725 : vector<1x1024xi32> to vector<70x1024xi32>
    %eq3A_727 = arith.cmpi eq, %iota3A, %eq3A_726 : vector<70x1024xi32>
    %or3A_728 = arith.ori %eq3A_722, %eq3A_727 : vector<70x1024xi1>
    %convert_element_type3A_729 = arith.extui %or3A_728 : vector<70x1024xi1> to vector<70x1024xi32>
    %convert_element_type3A_730 = arith.sitofp %convert_element_type3A_729 : vector<70x1024xi32> to vector<70x1024xf32>
    %get3A_731 = arith.constant 0 : index
    %get3A_732 = arith.constant 0 : index
    %get3A_733 = vector.load %arg5[%get3A_731, %get3A_732] : memref<64x70xf32, #tpu.memory_space<vmem>>, vector<64x70xf32>
    %dot_general3A_734 = arith.constant dense<0.000000e+00> : vector<64x1024xf32>
    %dot_general3A_735 = tpu.matmul %get3A_733, %convert_element_type3A_730, %dot_general3A_734 {dimension_numbers = #tpu.dot_dimension_numbers<[1], [0], [0], [1], [0, 0, 1, 1], [], []>, transpose_lhs_hint = false} : vector<64x70xf32>, vector<70x1024xf32>, vector<64x1024xf32> -> vector<64x1024xf32>
    %concatenate3A_736 = tpu.concatenate %transpose3A_710, %dot_general3A_735 in 0 : vector<128x1024xf32>, vector<64x1024xf32> -> vector<192x1024xf32>
    %get3A_737 = arith.constant 9 : index
    %get3A_738 = arith.constant 0 : index
    %get3A_739 = arith.constant 0 : index
    %get3A_740 = vector.load %arg6[%get3A_737, %get3A_738, %get3A_739] : memref<10x192x1xf32, #tpu.memory_space<vmem>>, vector<1x192x1xf32>
    %get3A_741 = vector.shape_cast %get3A_740 : vector<1x192x1xf32> to vector<192x1xf32>
    %add3A_742 = vector.broadcast %get3A_741 : vector<192x1xf32> to vector<192x1024xf32>
    %add3A_743 = arith.addf %concatenate3A_736, %add3A_742 : vector<192x1024xf32>
    %reduce_sum3A_744 = arith.constant dense<0.000000e+00> : vector<1024xf32>
    %reduce_sum3A_745 = vector.multi_reduction <add>, %add3A_743, %reduce_sum3A_744 [0] : vector<192x1024xf32> to vector<1024xf32>
    %broadcast_in_dim3A_746 = vector.shape_cast %reduce_sum3A_745 : vector<1024xf32> to vector<1x1024xf32>
    %div3A_747 = arith.constant 1.920000e+02 : f32
    %div3A_748 = vector.broadcast %div3A_747 : f32 to vector<1x1024xf32>
    %div3A_749 = arith.divf %broadcast_in_dim3A_746, %div3A_748 : vector<1x1024xf32>
    %sub3A_750 = vector.broadcast %div3A_749 : vector<1x1024xf32> to vector<192x1024xf32>
    %sub3A_751 = arith.subf %add3A_743, %sub3A_750 : vector<192x1024xf32>
    %sub3A_752 = vector.broadcast %div3A_749 : vector<1x1024xf32> to vector<192x1024xf32>
    %sub3A_753 = arith.subf %add3A_743, %sub3A_752 : vector<192x1024xf32>
    %mul3A_754 = arith.mulf %sub3A_751, %sub3A_753 : vector<192x1024xf32>
    %reduce_sum3A_755 = arith.constant dense<0.000000e+00> : vector<1024xf32>
    %reduce_sum3A_756 = vector.multi_reduction <add>, %mul3A_754, %reduce_sum3A_755 [0] : vector<192x1024xf32> to vector<1024xf32>
    %broadcast_in_dim3A_757 = vector.shape_cast %reduce_sum3A_756 : vector<1024xf32> to vector<1x1024xf32>
    %div3A_758 = arith.constant 1.920000e+02 : f32
    %div3A_759 = vector.broadcast %div3A_758 : f32 to vector<1x1024xf32>
    %div3A_760 = arith.divf %broadcast_in_dim3A_757, %div3A_759 : vector<1x1024xf32>
    %sub3A_761 = vector.broadcast %div3A_749 : vector<1x1024xf32> to vector<192x1024xf32>
    %sub3A_762 = arith.subf %add3A_743, %sub3A_761 : vector<192x1024xf32>
    %add3A_763 = arith.constant 9.99999974E-6 : f32
    %add3A_764 = vector.broadcast %add3A_763 : f32 to vector<1x1024xf32>
    %add3A_765 = arith.addf %div3A_760, %add3A_764 : vector<1x1024xf32>
    %rsqrt3A_766 = math.rsqrt %add3A_765 : vector<1x1024xf32>
    %mul3A_767 = vector.broadcast %rsqrt3A_766 : vector<1x1024xf32> to vector<192x1024xf32>
    %mul3A_768 = arith.mulf %sub3A_762, %mul3A_767 : vector<192x1024xf32>
    %get3A_769 = arith.constant 0 : index
    %get3A_770 = arith.constant 0 : index
    %get3A_771 = vector.load %arg7[%get3A_769, %get3A_770] : memref<192x1xf32, #tpu.memory_space<vmem>>, vector<192x1xf32>
    %mul3A_772 = vector.broadcast %get3A_771 : vector<192x1xf32> to vector<192x1024xf32>
    %mul3A_773 = arith.mulf %mul3A_768, %mul3A_772 : vector<192x1024xf32>
    %get3A_774 = arith.constant 0 : index
    %get3A_775 = arith.constant 0 : index
    %get3A_776 = vector.load %arg8[%get3A_774, %get3A_775] : memref<192x1xf32, #tpu.memory_space<vmem>>, vector<192x1xf32>
    %add3A_777 = vector.broadcast %get3A_776 : vector<192x1xf32> to vector<192x1024xf32>
    %add3A_778 = arith.addf %mul3A_773, %add3A_777 : vector<192x1024xf32>
    %swap3A_779 = arith.constant 9 : index
    %swap3A_780 = arith.constant 0 : index
    %swap3A_781 = arith.constant 0 : index
    %swap3A_782 = vector.load %arg9[%swap3A_779, %swap3A_780, %swap3A_781] : memref<10x192x1024xf32, #tpu.memory_space<vmem>>, vector<1x192x1024xf32>
    %swap3A_783 = vector.shape_cast %swap3A_782 : vector<1x192x1024xf32> to vector<192x1024xf32>
    %swap3A_784 = vector.shape_cast %add3A_778 : vector<192x1024xf32> to vector<1x192x1024xf32>
    tpu.vector_store %arg9[%swap3A_779, %swap3A_780, %swap3A_781], %swap3A_784 {strides = array<i32>} : memref<10x192x1024xf32, #tpu.memory_space<vmem>>, vector<1x192x1024xf32>,
    return
  }
  func.func @transform_0(%arg0: i32, %arg1: i32) -> (i32, i32, i32) {
    %c0_i32 = arith.constant 0 : i32
    %c0_i32_0 = arith.constant 0 : i32
    return %arg0, %arg1, %c0_i32 : i32, i32, i32
  }
  func.func @transform_1(%arg0: i32, %arg1: i32) -> (i32, i32, i32) {
    %c0_i32 = arith.constant 0 : i32
    %c0_i32_0 = arith.constant 0 : i32
    return %arg0, %c0_i32, %arg1 : i32, i32, i32
  }
  func.func @transform_2(%arg0: i32, %arg1: i32) -> (i32, i32, i32) {
    %c0_i32 = arith.constant 0 : i32
    %c0_i32_0 = arith.constant 0 : i32
    return %arg0, %c0_i32, %arg1 : i32, i32, i32
  }
  func.func @transform_3(%arg0: i32, %arg1: i32) -> (i32, i32) {
    %c0_i32 = arith.constant 0 : i32
    %c0_i32_0 = arith.constant 0 : i32
    %c0_i32_1 = arith.constant 0 : i32
    return %c0_i32, %c0_i32_0 : i32, i32
  }
  func.func @transform_4(%arg0: i32, %arg1: i32) -> (i32, i32, i32) {
    %c0_i32 = arith.constant 0 : i32
    %c0_i32_0 = arith.constant 0 : i32
    %c0_i32_1 = arith.constant 0 : i32
    return %arg0, %c0_i32, %c0_i32_0 : i32, i32, i32
  }
  func.func @transform_5(%arg0: i32, %arg1: i32) -> (i32, i32) {
    %c0_i32 = arith.constant 0 : i32
    %c0_i32_0 = arith.constant 0 : i32
    %c0_i32_1 = arith.constant 0 : i32
    return %c0_i32, %c0_i32_0 : i32, i32
  }
  func.func @transform_6(%arg0: i32, %arg1: i32) -> (i32, i32) {
    %c0_i32 = arith.constant 0 : i32
    %c0_i32_0 = arith.constant 0 : i32
    %c0_i32_1 = arith.constant 0 : i32
    return %c0_i32, %c0_i32_0 : i32, i32
  }
  func.func @transform_7(%arg0: i32, %arg1: i32) -> (i32, i32, i32) {
    %c0_i32 = arith.constant 0 : i32
    %c0_i32_0 = arith.constant 0 : i32
    return %arg0, %c0_i32, %arg1 : i32, i32, i32
  }
}

</mosaic_0001>

<sc_bundles>
// kernel: kernel.5.cloned.1.call-start
scs
__scs_entry_jumppad:
0x0: {  	(pc) =	sbr.rel $0x88, $3  }
0x1: {  	(tag) =	ssettag $0x0;
	lr =	simm.s32 $0x1  }
0x2: {  	[smem:$0x3F96] =	sst lr;
	_ =	strace $0xD0000000  }
0x3: {  	_ = 	snop  }
0x4: {  	_ = 	snop  }
0x5: {  	_ = 	snop  }
0x6: {  	_ = 	snop  }
0x7: {  	_ = 	snop  }
__scs_overlays_trampoline_lowered:
0x8: {  	[smem:$0x3FA5] =	sst s0  }
0x9: {  	[smem:$0x3FA6] =	sst s1  }
0xa: {  	[smem:$0x3FA7] =	sst s2  }
0xb: {  	[smem:$0x3FA8] =	sst s3  }
0xc: {  	[smem:$0x3FA9] =	sst s4  }
0xd: {  	[smem:$0x3FAA] =	sst s5  }
0xe: {  	[smem:$0x3FAB] =	sst s6  }
0xf: {  	[smem:$0x3FAC] =	sst s7  }
0x10: {  	[smem:$0x3FAD] =	sst s8  }
0x11: {  	[smem:$0x3FAE] =	sst s9;
	s0 =	simm.s32 @!p0 $0x0  }
0x12: {  	s1 =	sld [smem:$0x3F94];
	s0 =	simm.s32 @p0 $0x1  }
0x13: {  	[smem:$0x3FAF] =	sst s0;
	s0 =	simm.s32 @!p1 $0x0  }
0x14: {  	s2 =	sld [smem:$0x3F93];
	s0 =	simm.s32 @p1 $0x1  }
0x15: {  	[smem:$0x3FB0] =	sst s0;
	s0 =	simm.s32 @!p2 $0x0  }
0x16: {  	s3 =	sld [smem:$0x3FDB];
	s0 =	simm.s32 @p2 $0x1  }
0x17: {  	s4 =	simm.s32 $0x1BF5;
	[smem:$0x3FB2] =	sst s0  }
0x18: {  	s0 =	sld [smem:$0x3F95];
	_ =	swait.ge [sflag:s4], $0x0  }
0x19: {  	s7 =	sld [smem:$0x3F96]  }
0x1a: {  	s8 =	sadd.s32 $0xFFFFE003, lr  }
0x1b: {  	s9 =	sadd.s32 $0xFFFFFEF7, lr;
	s5 =	simm.s32 $0xFFFFFFFF;
	p2 =	slt.u32 s8, $0xFFFFF086  }
0x1c: {  	p1 =	slt.u32 s9, $0xF7A;
	s5 =	simm.s32 @!p2 $0x0  }
0x1d: {  	s5 =	simm.s32 @p1 $0x1;
	p0 =	seq.s32 s7, s2  }
0x1e: {  	s7 =	smul.u32 @!p0 $0xF7A, s2;
	p2 =	seq.s32 @!p0 s5, $0x0  }
0x1f: {  	s9 =	smul.u32 $0xF7A, s1;
	s8 =	simm.s32 @!p0 $0x1BF5;
	p2 =	por !p2, p0  }
0x20: {  	[sflag:s8] =	ssyncset.s32 @!p0 $0xFFFFF086;
	s6 =	sadd.s32 @!p0 s3, s7;
	s7 =	simm.s32 @!p0 $0x108  }
0x21: {  	s3 =	sadd.s32 s3, s9;
	s6 =	sadd.s32 @!p0 $0x88, s6;
	s7 =	simm.s32 @p2 $0x1082  }
0x22: {  	[simem:s7], [sflag:s8] =	dma.local @!p0 [hbm:s6], $0xF7A  }
0x23: {  	s9 =	sor.u32 $0xD0000000, s2;
	s6 =	simm.s32 $0x108;
	_ =	swait.ge @!p0 [sflag:s8], $0x0  }
0x24: {  	s3 =	sadd.s32 $0x88, s3;
	s6 =	simm.s32 @!p1 $0x1082;
	[sflag:s4] =	ssyncset.s32 $0xFFFFF086  }
0x25: {  	[simem:s6], [sflag:s4] =	dma.local [hbm:s3], $0xF7A  }
0x26: {  	[smem:$0x3F96] =	sst s1;
	(tag) =	ssettag s2;
	_ =	strace s9  }
0x27: {  	s1 =	sld [smem:$0x3FA6]  }
0x28: {  	s2 =	sld [smem:$0x3FA7]  }
0x29: {  	s4 =	sld [smem:$0x3FA9]  }
0x2a: {  	p0 =	seq.s32 s5, $0x0;
	s5 =	sld [smem:$0x3FAA]  }
0x2b: {  	s6 =	sld [smem:$0x3FAB]  }
0x2c: {  	s7 =	sld [smem:$0x3FAC]  }
0x2d: {  	s3 =	simm.s32 $0x108;
	s8 =	sld [smem:$0x3FAD]  }
0x2e: {  	s3 =	simm.s32 @!p0 $0x1082;
	s9 =	sld [smem:$0x3FAE]  }
0x2f: {  	lr =	sadd.s32 s0, s3;
	s0 =	sld [smem:$0x3FA5]  }
0x30: {  	s3 =	sld [smem:$0x3FA8]  }
0x31: {  	[smem:$0x3FB1] =	sst s10  }
0x32: {  	s10 =	sld [smem:$0x3FAF];
	_ =	sdelay $0x3  }
0x33: {  	p0 =	seq.s32 s10, $0x1;
	s10 =	sld [smem:$0x3FB1];
	_ =	sdelay $0x3  }
0x34: {  	[smem:$0x3FB1] =	sst s10  }
0x35: {  	s10 =	sld [smem:$0x3FB0];
	_ =	sdelay $0x3  }
0x36: {  	p1 =	seq.s32 s10, $0x1;
	s10 =	sld [smem:$0x3FB1];
	_ =	sdelay $0x3  }
0x37: {  	[smem:$0x3FB1] =	sst s10  }
0x38: {  	s10 =	sld [smem:$0x3FB2]  }
0x39: {  	_ = 	snop;
	(pc) =	sbr.ind lr, $3  }
0x3a: {  	_ = 	snop  }
0x3b: {  	_ = 	snop  }
0x3c: {  	p2 =	seq.s32 s10, $0x1;
	s10 =	sld [smem:$0x3FB1]  }
0x3d: {  	_ =	shalt  }
0x3e: {  	_ =	shalt  }
0x3f: {  	_ =	shalt  }
0x40: {  	_ =	shalt  }
0x41: {  	_ =	shalt  }
0x42: {  	_ =	shalt  }
0x43: {  	_ =	shalt  }
0x44: {  	_ =	shalt  }
0x45: {  	_ =	shalt  }
0x46: {  	_ =	shalt  }
0x47: {  	_ =	shalt  }
0x48: {  	_ =	shalt  }
0x49: {  	_ =	shalt  }
0x4a: {  	_ =	shalt  }
0x4b: {  	_ =	shalt  }
0x4c: {  	_ =	shalt  }
0x4d: {  	_ =	shalt  }
0x4e: {  	_ =	shalt  }
0x4f: {  	_ =	shalt  }
0x50: {  	_ =	shalt  }
0x51: {  	_ =	shalt  }
0x52: {  	_ =	shalt  }
0x53: {  	_ =	shalt  }
0x54: {  	_ =	shalt  }
0x55: {  	_ =	shalt  }
0x56: {  	_ =	shalt  }
0x57: {  	_ =	shalt  }
0x58: {  	_ =	shalt  }
0x59: {  	_ =	shalt  }
0x5a: {  	_ =	shalt  }
0x5b: {  	_ =	shalt  }
0x5c: {  	_ =	shalt  }
0x5d: {  	_ =	shalt  }
0x5e: {  	_ =	shalt  }
0x5f: {  	_ =	shalt  }
0x60: {  	_ =	shalt  }
0x61: {  	_ =	shalt  }
0x62: {  	_ =	shalt  }
0x63: {  	_ =	shalt  }
0x64: {  	_ =	shalt  }
0x65: {  	_ =	shalt  }
0x66: {  	_ =	shalt  }
0x67: {  	_ =	shalt  }
0x68: {  	_ =	shalt  }
0x69: {  	_ =	shalt  }
0x6a: {  	_ =	shalt  }
0x6b: {  	_ =	shalt  }
0x6c: {  	_ =	shalt  }
0x6d: {  	_ =	shalt  }
0x6e: {  	_ =	shalt  }
0x6f: {  	_ =	shalt  }
0x70: {  	_ =	shalt  }
0x71: {  	_ =	shalt  }
0x72: {  	_ =	shalt  }
0x73: {  	_ =	shalt  }
0x74: {  	_ =	shalt  }
0x75: {  	_ =	shalt  }
0x76: {  	_ =	shalt  }
0x77: {  	_ =	shalt  }
0x78: {  	_ =	shalt  }
0x79: {  	_ =	shalt  }
0x7a: {  	_ =	shalt  }
0x7b: {  	_ =	shalt  }
0x7c: {  	_ =	shalt  }
0x7d: {  	_ =	shalt  }
0x7e: {  	_ =	shalt  }
0x7f: {  	_ =	shalt  }
0x80: {  	_ =	shalt  }
0x81: {  	_ =	shalt  }
0x82: {  	_ =	shalt  }
0x83: {  	_ =	shalt  }
0x84: {  	_ =	shalt  }
0x85: {  	_ =	shalt  }
0x86: {  	_ =	shalt  }
0x87: {  	_ =	shalt  }
.Lfunc_end0:
.L_simem_size_0:
called_computation_lowered:
.L_overlay_start_0:
0x88: {  	s2 =	sld [smem:$0x3FD9]  }
0x89: {  	s3 =	sld [smem:$0x3FFE];
	_ =	sdelay $0x1  }
0x8a: {  	s1 =	srdreg.scid  }
0x8b: {  	s0 =	sand.u32 $0x1, s1  }
0x8c: {  	s14 =	sshll.u32 s0, $0xA;
	s2 =	sadd.s32 s3, s2  }
0x8d: {  	s2 =	sadd.s32 s2, s14  }
0x8e: {  	[smem:$0x3FBD] =	sst s2  }
0x8f: {  	_ = 	snop  }
0x90: {  	s2 =	sld [smem:$0x3FD0];
	_ =	sdelay $0x2  }
0x91: {  	s4 =	simm.s32 $0xA;
	s5 =	simm.s32 $0x10;
	s15 =	sld [smem:$0x3FC4]  }
0x92: {  	[smem:s5], [sflag:s4] =	dma.local [hbm:s2], $0x1  }
0x93: {  	_ =	swait.eq [sflag:s4], $0x1  }
0x94: {  	[sflag:s4] =	ssyncset.done $0x0  }
0x95: {  	[sflag:s4] =	ssyncadd.s32 $0xFFFFFFFF  }
0x96: {  	s16 =	sld [smem:$0x10];
	(tm) =	ssettm $0x1  }
0x97: {  	s17 =	sld [smem:$0x3FFB];
	_ =	sdelay $0x3  }
0x98: {  	_ =	strace s17  }
0x99: {  	s4 =	sld [smem:$0x3FFC];
	_ =	sdelay $0x3  }
0x9a: {  	_ =	strace s4  }
0x9b: {  	s4 =	sld [smem:$0x3FFD];
	_ =	sdelay $0x3  }
0x9c: {  	_ =	strace s4  }
0x9d: {  	_ =	strace $0x8FFFFFFF  }
0x9e: {  	s18 =	sld [smem:$0x3FDB];
	_ =	sdelay $0x1  }
0x9f: {  	s19 =	simm.s32 $_scs_section_size  }
0xa0: {  	s6 =	simm.s32 $_size__tile_overlayer_lowered;
	s7 =	simm.s32 $_tile_overlayer_lowered  }
0xa1: {  	s22 =	simm.s32 $0x1BFF;
	s21 =	sshll.u32 s7, $0x1;
	s4 =	sadd.s32 s19, s18  }
0xa2: {  	s8 =	simm.s32 $0x0;
	s20 =	sshll.u32 s6, $0x1;
	s6 =	sadd.s32 s21, s4  }
0xa3: {  	[timem:s8], [sflag:s22] =	dma.local [hbm:s6], s20  }
0xa4: {  	_ =	swait.ge [sflag:s22], s20  }
0xa5: {  	s5 =	ssub.s32 $0x0, s20;
	[sflag:s22] =	ssyncset.done $0x0  }
0xa6: {  	[sflag:s22] =	ssyncadd.s32 s5;
	_ =	sdelay $0x1  }
0xa7: {  	s23 =	simm.s32 $0x1B8B  }
0xa8: {  	_ =	swait.ge [sflag:s23], $0x1  }
0xa9: {  	[sflag:s23] =	ssyncset.done $0x0  }
0xaa: {  	s25 =	simm.s32 $0x1B8E;
	s24 =	sld [smem:$0x3FFE];
	[sflag:s23] =	ssyncadd.s32 $0xFFFFFFFF  }
0xab: {  	s26 =	simm.s32 $execute0_lowered;
	[smem:$0x3FD2] =	sst s25  }
0xac: {  	s6 =	sshll.u32 s26, $0x1;
	_ =	strace $0x80000046;
	[dreg:$0x1] =	wrdreg $0xFFFFFFFF  }
0xad: {  	s28 =	simm.s32 $_size_execute0_lowered;
	s4 =	sadd.s32 s4, s6;
	[dreg:$0x0] =	wrdreg $0x0  }
0xae: {  	s6 =	sshll.u32 s28, $0x1;
	[dreg:$0x2] =	wrdreg s4  }
0xaf: {  	[dreg:$0x3] =	wrdreg s6  }
0xb0: {  	[dreg:$0x4] =	wrdreg $0xC0  }
0xb1: {  	_ =	task [dreg:s8], $0x5FFFF  }
0xb2: {  	[dreg:$0x1] =	wrdreg $0xFFFFFFFF  }
0xb3: {  	[dreg:$0x0] =	wrdreg $0x60  }
0xb4: {  	[dreg:$0x2] =	wrdreg s15  }
0xb5: {  	[dreg:$0x3] =	wrdreg s16  }
0xb6: {  	[dreg:$0x4] =	wrdreg s24  }
0xb7: {  	[dreg:$0x5] =	wrdreg $0x9  }
0xb8: {  	_ =	task.clear_ibuf [dreg:s8], $0x6FFFF;
	_ =	strace $0x90000046  }
0xb9: {  	s29 =	simm.s32 $0x9;
	_ =	strace $0x80000048  }
0xba: {  	_ =	swait.ge [sflag:s29], $0x1  }
0xbb: {  	[sflag:s29] =	ssyncadd.s32 $0xFFFFFFFF  }
0xbc: {  	_ =	strace $0x90000048  }
0xbd: {  	_ =	sfence  }
0xbe: {  	s30 =	sld [smem:$0x0];
	_ =	sdelay $0x2  }
0xbf: {  	s31 =	sshll.u32 s1, $0xD;
	s1 =	sshrl.u32 s1, $0x2  }
0xc0: {  	s3 =	sand.u32 $0x4000, s31;
	s1 =	sadd.s32 s1, s30  }
0xc1: {  	s0 =	sor.u32 s3, s0;
	s1 =	sshll.u32 s1, $0x11  }
0xc2: {  	s0 =	sor.u32 s1, s0  }
0xc3: {  	s0 =	sadd.s32 $0x8F2B, s0  }
0xc4: {  	[sflag:s0] =	ssyncadd.remote.s32 $0x1  }
0xc5: {  	_ =	sfence.sel $0xFFFF  }
0xc6: {  	[dreg:$0x0] =	wrdreg $0xFFFFFFFF;
	(pc) =	sbr.abs _section_cstart, $3  }
0xc7: {  	[dreg:$0x1] =	wrdreg $0xFFFFFFFF  }
0xc8: {  	_ =	task.clear_ibuf [dreg:s8], $0x2FFFF;
	_ =	strace $0x9FFFFFFF  }
0xc9: {  	(tm) =	ssettm $0x7FFFFFFF  }
tec
execute0_lowered:
.L_overlay_start_1:
0x0: {  	(tag) =	ssettag $0x1  }
0x1: {  	s1 =	rddreg [dreg:$0x0]  }
0x2: {  	s2 =	srdreg.scid;
	s5 =	rddreg [dreg:$0x1]  }
0x3: {  	s0 =	stileid.u32;
	s7 =	rddreg [dreg:$0x2];
	s3 =	simm.s32 $0x0  }
0x4: {  	s4 =	sand.u32 $0x1, s2;
	s30 =	sshll.u32 s0, $0x1;
	s2 =	rddreg [dreg:$0x3]  }
0x5: {  	[smem:$0x7FF] =	sst s3;
	s10 =	smul.u32 $0x190000, s0;
	s7 =	sadd.s32 $0x1A00, s7  }
0x6: {  	s6 =	sor.u32 s4, s30;
	s9 =	ssub.s32 $0x2, s4;
	s12 =	smul.u32 $0xC8000, s4  }
0x7: {  	_ =	strace $0x80000047;
	s8 =	smul.u32 $0x380, s6;
	s11 =	sshrl.u32 s9, $0x1  }
0x8: {  	s6 =	smul.u32 $0xC8000, s6;
	s9 =	ssub.s32 s9, s11;
	s31 =	sadd.s32 s12, s10  }
0x9: {  	s10 =	simm.s32 $0x2;
	s11 =	simm.s32 $0x5C00;
	s12 =	simm.s32 $0x0  }
0xa: {  	s6 =	sshrl.u32 s6, $0x3;
	s4 =	sadd.s32 s5, s8;
	s5 =	smax.u32 s9, $0x1  }
0xb: {  	s8 =	sshrl.u32 s31, $0x3;
	s9 =	simm.s32 $0x1C00;
	s6 =	sadd.s32 s7, s6  }
0xc: {  	s7 =	sadd.s32 s8, s7;
	s8 =	simm.s32 $0x3;
	s6 =	sadd.s32 $0x18800, s6  }
.LBB2_1:
0xd: {  	[tilespmem:s3], [sflag:$0x3] =	stream.linear.gather [hbm4b:s4+s3], $0x1900, $0x38;
	[tilespmem:$0x9C00] =	vst v63  }
0xe: {  	_ =	swait.ge [sflag:s8], $0x1900  }
0xf: {  	s14 =	sand.u32 $0x1, s3;
	[sflag:s8] =	ssyncset.done $0x0  }
0x10: {  	s13 =	simm.s32 $0x80;
	p0 =	seq.s32 s14, $0x1;
	[sflag:s8] =	ssyncadd.s32 $0xFFFFE700  }
0x11: {  	[tilespmem:s9], [sflag:$0x1] =	stream.indirect.gather [hbm4b:s1+s13], $0x80, s3, s13, $0xb8;
	[tilespmem:$0x9C00] =	vst v63  }
0x12: {  	s14 =	simm.s32 @p0 $0x80;
	s15 =	simm.s32 @p0 $0x1C00;
	s16 =	simm.s32 @p0 $0x2  }
0x13: {  	[tilespmem:s15], [sflag:$0x1] =	stream.indirect.gather @p0 [hbm4b:s1+s14], $0x80, s13, s14, $0xb8;
	[tilespmem:$0x9C00] =	vst v63  }
0x14: {  	_ =	swait.ge @p0 [sflag:s16], $0x4000  }
0x15: {  	[sflag:s16] =	ssyncset.done @p0 $0x0  }
0x16: {  	s14 =	simm.s32 @p0 $0x0;
	s15 =	simm.s32 @p0 $0x5C00;
	[sflag:s16] =	ssyncadd.s32 @p0 $0xFFFFC000  }
0x17: {  	[hbm4b:s7+s14] =	stream.linear.scatter @p0 [tilespmem:s15], [sflag:$0x3], $0x4000, $0x38;
	[tilespmem:$0x9C00] =	vst v63  }
0x18: {  	s17 =	simm.s32 @!p0 $0x1;
	s14 =	simm.s32 @!p0 $0x80;
	s15 =	simm.s32 @!p0 $0x5C00  }
0x19: {  	[tilespmem:s15], [sflag:$0x2] =	stream.indirect.gather @!p0 [hbm4b:s1+s14], $0x80, s13, s14, $0xb8;
	[tilespmem:$0x9C00] =	vst v63  }
0x1a: {  	s16 =	simm.s32 @!p0 $0x4;
	_ =	swait.ge @!p0 [sflag:s17], $0x4000  }
0x1b: {  	s31 =	simm.s32 $0x1;
	s16 =	simm.s32 @p0 $0x3;
	[sflag:s17] =	ssyncset.done @!p0 $0x0  }
0x1c: {  	s14 =	simm.s32 @!p0 $0x1C00;
	[sflag:s17] =	ssyncadd.s32 @!p0 $0xFFFFC000;
	s17 =	simm.s32 @!p0 $0x0  }
0x1d: {  	[hbm4b:s7+s17] =	stream.linear.scatter @!p0 [tilespmem:s14], [sflag:$0x4], $0x4000, $0x38;
	[tilespmem:$0x9C00] =	vst v63  }
0x1e: {  	s15 =	simm.s32 $0x2;
	s13 =	sand.u32 $0x1, s31;
	s14 =	simm.s32 $0x100  }
0x1f: {  	p0 =	seq.s32 s13, $0x1;
	s13 =	sadd.s32 $0x800, s7;
	_ =	swait.ge [sflag:s16], $0x4000  }
.LBB2_2:
0x20: {  	s17 =	simm.s32 @p0 $0x80;
	s18 =	simm.s32 @p0 $0x1C00  }
0x21: {  	[sflag:s16] =	ssyncset.done $0x0;
	s19 =	smov.u32 s15;
	s20 =	smov.u32 s14  }
0x22: {  	s15 =	sadd.s32 $0x1, s15;
	s21 =	simm.s32 @p0 $0x2;
	[sflag:s16] =	ssyncadd.s32 $0xFFFFC000  }
0x23: {  	[tilespmem:s18], [sflag:$0x1] =	stream.indirect.gather @p0 [hbm4b:s1+s17], $0x80, s14, s17, $0xb8;
	[tilespmem:$0x9C00] =	vst v63  }
0x24: {  	p1 =	sne.s32 s15, $0x31;
	_ =	swait.ge @p0 [sflag:s21], $0x4000  }
0x25: {  	s14 =	sadd.s32 $0x80, s14;
	[sflag:s21] =	ssyncset.done @p0 $0x0  }
0x26: {  	s16 =	simm.s32 @p0 $0x0;
	s17 =	simm.s32 @p0 $0x5C00;
	[sflag:s21] =	ssyncadd.s32 @p0 $0xFFFFC000  }
0x27: {  	[hbm4b:s13+s16] =	stream.linear.scatter @p0 [tilespmem:s17], [sflag:$0x3], $0x4000, $0x38;
	[tilespmem:$0x9C00] =	vst v63  }
0x28: {  	s18 =	simm.s32 @!p0 $0x1;
	s16 =	simm.s32 @!p0 $0x80;
	s17 =	simm.s32 @!p0 $0x5C00  }
0x29: {  	[tilespmem:s17], [sflag:$0x2] =	stream.indirect.gather @!p0 [hbm4b:s1+s16], $0x80, s20, s16, $0xb8;
	[tilespmem:$0x9C00] =	vst v63  }
.Ltmp0:
0x2a: {  	s17 =	sand.u32 $0x1, s19;
	_ =	swait.ge @!p0 [sflag:s18], $0x4000;
	(pc) =	sbr.rel @p1 .LBB2_2-.Ltmp0, $4  }
0x2b: {  	s19 =	simm.s32 @!p0 $0x1C00;
	s16 =	simm.s32 @!p0 $0x4;
	[sflag:s18] =	ssyncset.done @!p0 $0x0  }
0x2c: {  	s16 =	simm.s32 @p0 $0x3;
	[sflag:s18] =	ssyncadd.s32 @!p0 $0xFFFFC000;
	s18 =	simm.s32 @!p0 $0x0  }
0x2d: {  	[hbm4b:s13+s18] =	stream.linear.scatter @!p0 [tilespmem:s19], [sflag:$0x4], $0x4000, $0x38;
	[tilespmem:$0x9C00] =	vst v63  }
0x2e: {  	p0 =	seq.s32 s17, $0x1;
	s13 =	sadd.s32 $0x800, s13;
	_ =	swait.ge [sflag:s16], $0x4000  }
0x2f: {  	s15 =	simm.s32 @p0 $0x80;
	[sflag:s16] =	ssyncset.done $0x0  }
0x30: {  	s17 =	simm.s32 @p0 $0x1C00;
	s18 =	simm.s32 @p0 $0x2;
	[sflag:s16] =	ssyncadd.s32 $0xFFFFC000  }
0x31: {  	[tilespmem:s17], [sflag:$0x1] =	stream.indirect.gather @p0 [hbm4b:s1+s15], $0x80, s14, s15, $0xb8;
	[tilespmem:$0x9C00] =	vst v63  }
0x32: {  	_ =	swait.ge @p0 [sflag:s18], $0x4000  }
0x33: {  	[sflag:s18] =	ssyncset.done @p0 $0x0  }
0x34: {  	s16 =	simm.s32 @p0 $0x5C00;
	s15 =	simm.s32 @p0 $0x0;
	[sflag:s18] =	ssyncadd.s32 @p0 $0xFFFFC000  }
0x35: {  	[hbm4b:s13+s15] =	stream.linear.scatter @p0 [tilespmem:s16], [sflag:$0x3], $0x4000, $0x38;
	[tilespmem:$0x9C00] =	vst v63  }
0x36: {  	s17 =	simm.s32 @!p0 $0x1;
	s15 =	simm.s32 @!p0 $0x80;
	s16 =	simm.s32 @!p0 $0x5C00  }
0x37: {  	[tilespmem:s16], [sflag:$0x2] =	stream.indirect.gather @!p0 [hbm4b:s1+s15], $0x80, s14, s15, $0xb8;
	[tilespmem:$0x9C00] =	vst v63  }
0x38: {  	_ =	swait.ge @!p0 [sflag:s17], $0x4000  }
0x39: {  	s14 =	simm.s32 @!p0 $0x1C00;
	s15 =	simm.s32 @!p0 $0x4;
	[sflag:s17] =	ssyncset.done @!p0 $0x0  }
0x3a: {  	s16 =	simm.s32 @!p0 $0x0;
	s15 =	simm.s32 @p0 $0x3;
	[sflag:s17] =	ssyncadd.s32 @!p0 $0xFFFFC000  }
0x3b: {  	[hbm4b:s13+s16] =	stream.linear.scatter @!p0 [tilespmem:s14], [sflag:$0x4], $0x4000, $0x38;
	[tilespmem:$0x9C00] =	vst v63  }
0x3c: {  	_ =	swait.ge [sflag:s15], $0x4000  }
0x3d: {  	[sflag:s15] =	ssyncset.done $0x0  }
0x3e: {  	[sflag:s15] =	ssyncadd.s32 $0xFFFFC000  }
0x3f: {  	s12 =	sadd.s32 $0x1, s12;
	_ =	swait.ge [sflag:s10], $0x4000  }
0x40: {  	p0 =	sne.s32 s12, s5;
	[sflag:s10] =	ssyncset.done $0x0  }
.Ltmp1:
0x41: {  	[sflag:s10] =	ssyncadd.s32 $0xFFFFC000;
	(pc) =	sbr.rel @p0 .LBB2_1-.Ltmp1, $4  }
0x42: {  	[hbm4b:s6+s3] =	stream.linear.scatter [tilespmem:s11], [sflag:$0x3], $0x4000, $0x38;
	[tilespmem:$0x9C00] =	vst v63  }
0x43: {  	_ =	swait.ge [sflag:s8], $0x4000  }
0x44: {  	[sflag:s8] =	ssyncset.done $0x0  }
0x45: {  	[sflag:s8] =	ssyncadd.s32 $0xFFFFC000  }
0x46: {  	_ =	sfence.sel $0x180000  }
0x47: {  	[bflag:$0x0] =	sbarrier.arrive $0xFFFF  }
0x48: {  	p0 =	sne.s32 s0, $0x0;
	_ =	strace $0x90000047  }
0x49: {  	s0 =	sadd.s32 @!p0 $0x100000, s2;
	[bflag:$0x2] =	sbarrier.arrive $0xFFFF  }
0x4a: {  	[sflag:s0] =	ssyncadd.tile.s32 @!p0 $0x1;
	_ =	shalt  }
.Lfunc_end2:
_tile_overlayer_lowered:
.L_overlay_start_2:
0x4b: {  	(tag) =	ssettag $0x2  }
0x4c: {  	s0 =	rddreg [dreg:$0x0];
	s2 =	stileid.u32  }
0x4d: {  	s1 =	rddreg [dreg:$0x1];
	p0 =	sne.s32 s2, $0x0  }
0x4e: {  	s3 =	rddreg [dreg:$0x2];
	[bflag:$0x3] =	sbarrier.arrive $0xFFFF;
	s2 =	simm.s32 @!p0 $0x1C03  }
0x4f: {  	[timem:s3], [sflag:s2] =	dma.local @!p0 [hbm:s0], s1  }
0x50: {  	s0 =	simm.s32 @!p0 $0x3  }
0x51: {  	_ =	swait.ge @!p0 [sflag:s0], s1  }
0x52: {  	s1 =	ssub.s32 @!p0 $0x0, s1;
	[sflag:s0] =	ssyncset.done @!p0 $0x0  }
0x53: {  	[sflag:s0] =	ssyncadd.s32 @!p0 s1  }
0x54: {  	[bflag:$0x3] =	sbarrier.arrive $0xFFFF  }
0x55: {  	_ =	shalt  }

</sc_bundles>
